<compile_context>
chip_gen: v7x
topology: tpu7x:2x2x1
jax: 0.10.2.dev20260603
libtpu: 0.0.44.dev20260713+nightly
codegen_flags: <defaults>
</compile_context>

<pallas_src>
import functools

import jax
import jax.numpy as jnp
from jax import lax
from jax.experimental import pallas as pl
from jax.experimental.pallas import tpu as pltpu
from jax.experimental.pallas import tpu_sc as plsc

_N_BINS = 15
_N_COLS = 1000
_LANES = 16
_NW = 32
_TC_BLOCK_R = 2048
_SC_ROWS = 4096
_SC_BATCH = 16
_STEP = 1.0 / 15.0


def _bin_bounds_2d(n_lanes):
    idx = lax.broadcasted_iota(jnp.int32, (1, n_lanes), 1)
    idx_f = idx.astype(jnp.float32)
    step = jnp.float32(_STEP)
    lowers = jnp.where(idx < _N_BINS, idx_f * step, jnp.float32(2.0))
    uppers = jnp.where(idx == _N_BINS - 1, jnp.float32(1.0),
                       (idx_f + 1.0) * step)
    return lowers, uppers


def _histogram(conf, acc):
    lowers, uppers = _bin_bounds_2d(_LANES)
    in_bin = ((conf > lowers) & (conf <= uppers)).astype(jnp.float32)
    counts = jnp.sum(in_bin, axis=0, keepdims=True)
    acc_sums = jnp.sum(acc * in_bin, axis=0, keepdims=True)
    conf_sums = jnp.sum(conf * in_bin, axis=0, keepdims=True)
    return jnp.concatenate([counts, acc_sums, conf_sums], axis=0)




def _tc_kernel(logits_ref, labels_ref, part_ref, acc_scratch, *, block_r):
    i = pl.program_id(0)
    g = pl.num_programs(0)

    x = logits_ref[...]
    m = jnp.max(x, axis=1, keepdims=True)
    s = jnp.sum(jnp.exp(x - m), axis=1, keepdims=True)
    conf = 1.0 / s
    lab = labels_ref[0, 0, :].reshape(block_r, 1)
    cols = lax.broadcasted_iota(jnp.int32, x.shape, 1)
    xlab = jnp.max(jnp.where(cols == lab, x, -jnp.inf), axis=1, keepdims=True)
    acc = (xlab == m).astype(jnp.float32)

    partial = _histogram(conf, acc)

    @pl.when(i == 0)
    def _init():
        acc_scratch[...] = partial

    @pl.when(i != 0)
    def _accum():
        acc_scratch[...] = acc_scratch[...] + partial

    @pl.when(i == g - 1)
    def _emit():
        part_ref[...] = acc_scratch[...]


def _tc_partials(logits, labels, tc_rows):
    grid = tc_rows // _TC_BLOCK_R
    labels3 = labels.reshape(labels.shape[0] // _TC_BLOCK_R, 1, _TC_BLOCK_R)
    return pl.pallas_call(
        functools.partial(_tc_kernel, block_r=_TC_BLOCK_R),
        grid=(grid,),
        in_specs=[
            pl.BlockSpec((_TC_BLOCK_R, _N_COLS), lambda i: (i, 0)),
            pl.BlockSpec((1, 1, _TC_BLOCK_R), lambda i: (i, 0, 0)),
        ],
        out_specs=pl.BlockSpec((3, _LANES), lambda i: (0, 0)),
        out_shape=jax.ShapeDtypeStruct((3, _LANES), jnp.float32),
        scratch_shapes=[pltpu.VMEM((3, _LANES), jnp.float32)],
        compiler_params=pltpu.CompilerParams(
            allow_input_fusion=[True, True]),
    )(logits, labels3)




def _sc_body(logits_hbm, parts_hbm, buf_v, stage_m, *, sc_base, rpw):
    nc = 2
    wid = lax.axis_index("s") * nc + lax.axis_index("c")
    row0 = sc_base + wid * rpw
    out0 = wid * rpw

    lane = lax.iota(jnp.int32, _LANES)
    lane_f = lane.astype(jnp.float32)
    n_full = _N_COLS // _LANES
    tail0 = _N_COLS - _LANES
    neg_inf = jnp.full((_LANES,), -jnp.inf, jnp.float32)
    zero = jnp.zeros((_LANES,), jnp.float32)

    def batch_fn(b, _):
        pltpu.sync_copy(
            logits_hbm.at[pl.ds(row0 + b * _SC_BATCH, _SC_BATCH)], buf_v)

        def row_fn(j, __):
            m0 = neg_inf
            m1 = neg_inf
            s0 = zero
            s1 = zero
            a0 = zero
            a1 = zero
            for c in range(0, n_full, 2):
                x0 = buf_v[j, pl.ds(c * _LANES, _LANES)]
                x1 = buf_v[j, pl.ds((c + 1) * _LANES, _LANES)]
                a0 = jnp.where(x0 > m0, lane_f + float(c * _LANES), a0)
                a1 = jnp.where(x1 > m1, lane_f + float((c + 1) * _LANES), a1)
                m0 = jnp.maximum(m0, x0)
                m1 = jnp.maximum(m1, x1)
                s0 = s0 + jnp.exp(x0)
                s1 = s1 + jnp.exp(x1)
            xt = buf_v[j, pl.ds(tail0, _LANES)]
            a0 = jnp.where(xt > m0, lane_f + float(tail0), a0)
            m0 = jnp.maximum(m0, xt)
            s0 = s0 + jnp.where(lane >= n_full * _LANES - tail0,
                                jnp.exp(xt), jnp.float32(0.0))
            mm = jnp.maximum(m0, m1)
            cand0 = jnp.where(m0 == mm, a0, jnp.float32(1e9))
            cand1 = jnp.where(m1 == mm, a1, jnp.float32(1e9))
            stage_m[j, pl.ds(0, _LANES)] = mm
            stage_m[j, pl.ds(_LANES, _LANES)] = s0 + s1
            stage_m[j, pl.ds(2 * _LANES, _LANES)] = jnp.minimum(cand0, cand1)
            return 0

        lax.fori_loop(0, _SC_BATCH, row_fn, 0)
        pltpu.sync_copy(
            stage_m, parts_hbm.at[pl.ds(out0 + b * _SC_BATCH, _SC_BATCH)])
        return 0

    lax.fori_loop(0, rpw // _SC_BATCH, batch_fn, 0)


def _sc_partials(logits):
    sc_base = 0
    rpw = _SC_ROWS // _NW
    mesh = plsc.VectorSubcoreMesh(core_axis_name="c", subcore_axis_name="s")
    run = pl.kernel(
        functools.partial(_sc_body, sc_base=sc_base, rpw=rpw),
        mesh=mesh,
        out_type=jax.ShapeDtypeStruct((_SC_ROWS, 3 * _LANES), jnp.float32),
        scratch_types=[
            pltpu.VMEM((_SC_BATCH, _N_COLS), jnp.float32),
            pltpu.VMEM((_SC_BATCH, 3 * _LANES), jnp.float32),
        ],
        compiler_params=pltpu.CompilerParams(use_tc_tiling_on_sc=True),
    )
    return run(logits)




def _combine_kernel(tc_ref, parts_ref, labs_ref, ece_ref, accs_ref,
                    confs_ref, *, n_rows):
    p = parts_ref[...]
    maxes = p[:, 0:_LANES]
    mx = jnp.max(maxes, axis=1, keepdims=True)
    s = jnp.sum(p[:, _LANES:2 * _LANES], axis=1, keepdims=True)
    conf = jnp.exp(mx) / s
    args = p[:, 2 * _LANES:3 * _LANES]
    pred = jnp.min(jnp.where(maxes == mx, args, jnp.float32(1e9)),
                   axis=1, keepdims=True)
    acc = (pred == labs_ref[...].astype(jnp.float32)).astype(jnp.float32)

    tot = tc_ref[...] + _histogram(conf, acc)
    count = tot[0:1, :_N_BINS]
    acc_sum = tot[1:2, :_N_BINS]
    conf_sum = tot[2:3, :_N_BINS]
    prop = count / float(n_rows)
    safe = jnp.maximum(count, 1.0)
    acc_bin = acc_sum / safe
    conf_bin = conf_sum / safe
    nonempty = count > 0.0
    gaps = jnp.where(nonempty, jnp.abs(conf_bin - acc_bin) * prop, 0.0)
    ece_ref[...] = jnp.sum(gaps, keepdims=True)
    accs_ref[...] = jnp.where(nonempty, acc_bin, jnp.nan)
    confs_ref[...] = jnp.where(nonempty, conf_bin, jnp.nan)


@jax.jit
def kernel(logits, labels):
    n_rows, _ = logits.shape
    tc_rows = n_rows - _SC_ROWS
    sc_parts = _sc_partials(logits[tc_rows:])
    tc_part = _tc_partials(logits, labels, tc_rows)
    labs_sc = labels[tc_rows:].reshape(_SC_ROWS, 1)
    ece, accs, confs = pl.pallas_call(
        functools.partial(_combine_kernel, n_rows=n_rows),
        out_shape=[
            jax.ShapeDtypeStruct((1, 1), jnp.float32),
            jax.ShapeDtypeStruct((1, _N_BINS), jnp.float32),
            jax.ShapeDtypeStruct((1, _N_BINS), jnp.float32),
        ],
    )(tc_part, sc_parts, labs_sc)
    return ece.reshape(1), accs.reshape(_N_BINS), confs.reshape(_N_BINS)

# --- scband reference (transcript-rebuilt; emitter-appended) ---
"""Pipeline reference for scband-eceloss-841813590322 (READ-ONLY COPY).

The authoritative reference and input builder live on the scoring server;
editing this copy changes nothing except your own understanding.
"""

import jax, jax.numpy as jnp
import numpy as np

N_BINS = 15

def setup_inputs(seed: int = 0) -> dict:
    key = jax.random.key(seed)
    k1, k2 = jax.random.split(key)
    logits = jax.random.normal(k1, (16384, 1000), dtype=jnp.float32)
    labels = jax.random.randint(k2, (16384,), 0, 1000, dtype=jnp.int32)
    return {"logits": logits, "labels": labels}

def reference(logits, labels):
    # ECELoss.forward with apply_softmax=True (default)
    softmaxes = jax.nn.softmax(logits, axis=1)
    confidences = jnp.max(softmaxes, axis=1)
    predictions = jnp.argmax(softmaxes, axis=1)
    accuracies = (predictions == labels).astype(jnp.float32)

    bin_boundaries = jnp.linspace(0.0, 1.0, N_BINS + 1)
    bin_lowers = bin_boundaries[:-1]
    bin_uppers = bin_boundaries[1:]

    n = confidences.shape[0]
    ece = jnp.zeros((1,), dtype=jnp.float32)
    accs_for_bin = []
    confs_for_bin = []
    for i in range(N_BINS):
        in_bin = (confidences > bin_lowers[i]) & (confidences <= bin_uppers[i])
        in_bin_f = in_bin.astype(jnp.float32)
        count = jnp.sum(in_bin_f)
        prop_in_bin = count / n
        safe_count = jnp.maximum(count, 1.0)
        accuracy_in_bin = jnp.sum(accuracies * in_bin_f) / safe_count
        avg_confidence_in_bin = jnp.sum(confidences * in_bin_f) / safe_count
        nonempty = count > 0
        ece = ece + jnp.where(nonempty, jnp.abs(avg_confidence_in_bin - accuracy_in_bin) * prop_in_bin, 0.0)
        # original returns None for empty bins; represent as NaN in array form
        accs_for_bin.append(jnp.where(nonempty, accuracy_in_bin, jnp.nan))
        confs_for_bin.append(jnp.where(nonempty, avg_confidence_in_bin, jnp.nan))
    return ece, jnp.stack(accs_for_bin), jnp.stack(confs_for_bin)

if __name__ == "__main__":
    import jax
    _d = setup_inputs()
    print(jax.jit(kernel)(*tuple(_d.values())))

</pallas_src>

<mosaic_0001>
#map = affine_map<(d0, d1) -> (0, 0)>
module attributes {stable_mosaic.version = 14 : i64} {
  func.func @_sc_body(%arg0: i32, %arg1: i32, %arg2: memref<4096x1000xf32, #tpu.memory_space<hbm>>, %arg3: memref<4096x48xf32, #tpu.memory_space<hbm>>, %arg4: memref<16x1000xf32, #tpu.memory_space<vmem>>, %arg5: memref<16x48xf32, #tpu.memory_space<vmem>>) attributes {dimension_semantics = [#tpu.dimension_semantics<core_parallel>, #tpu.dimension_semantics<subcore_parallel>], iteration_bounds = array<i64: 2, 16>, scalar_prefetch = 0 : i64, scratch_operands = 2 : i64, tpu.core_type = #tpu.core_type<sc_vector_subcore>, window_params = [{transform_indices = #map}, {transform_indices = #map}]} {
    %mul3A = arith.constant 2 : i32
    %mul3A_0 = arith.muli %arg1, %mul3A : i32
    %add3A = arith.addi %mul3A_0, %arg0 : i32
    %mul3A_1 = arith.constant 128 : i32
    %mul3A_2 = arith.muli %add3A, %mul3A_1 : i32
    %add3A_3 = arith.constant 0 : i32
    %add3A_4 = arith.addi %add3A_3, %mul3A_2 : i32
    %mul3A_5 = arith.constant 128 : i32
    %mul3A_6 = arith.muli %add3A, %mul3A_5 : i32
    %iota3A = tpu.iota {dimensions = array<i32: 0>} : vector<16xi32>
    %convert_element_type3A = arith.sitofp %iota3A : vector<16xi32> to vector<16xf32>
    %broadcast_in_dim3A = arith.constant 0xFF800000 : f32
    %broadcast_in_dim3A_7 = vector.broadcast %broadcast_in_dim3A : f32 to vector<16xf32>
    %broadcast_in_dim3A_8 = arith.constant 0.000000e+00 : f32
    %broadcast_in_dim3A_9 = vector.broadcast %broadcast_in_dim3A_8 : f32 to vector<16xf32>
    %scan3A = arith.constant 0 : i32
    %scan3A_10 = arith.constant 0 : i32
    %scan3A_11 = arith.constant 8 : i32
    %scan3A_12 = arith.addi %scan3A_10, %scan3A_11 : i32
    %scan3A_13 = arith.constant 1 : i32
    %scan3A_14 = scf.for %scan3A_16 = %scan3A_10 to %scan3A_12 step %scan3A_13 iter_args(%scan3A_17 = %scan3A) -> (i32)  : i32 {
      %mul3A_18 = arith.constant 16 : i32
      %mul3A_19 = arith.muli %scan3A_16, %mul3A_18 : i32
      %add3A_20 = arith.addi %add3A_4, %mul3A_19 : i32
      "tpu.region"() ({
        %run_scoped3A = tpu.sem_alloc : memref<!tpu.dma_semaphore, #tpu.memory_space<semaphore_mem>>
        %dma_start3A = arith.constant 0 : i32
        %dma_start3A_32 = tpu.memref_slice %arg2[%add3A_20, %dma_start3A] : memref<4096x1000xf32, #tpu.memory_space<hbm>> -> memref<16x1000xf32, #tpu.memory_space<hbm>>
        %dma_start3A_33 = arith.constant 0 : i32
        %dma_start3A_34 = tpu.memref_slice %arg2[%add3A_20, %dma_start3A_33] : memref<4096x1000xf32, #tpu.memory_space<hbm>> -> memref<16x1000xf32, #tpu.memory_space<hbm>>
        tpu.enqueue_dma source(%dma_start3A_34 : memref<16x1000xf32, #tpu.memory_space<hbm>>) target(%arg4 : memref<16x1000xf32, #tpu.memory_space<vmem>>) target_semaphore(%run_scoped3A : memref<!tpu.dma_semaphore, #tpu.memory_space<semaphore_mem>>)
        %dma_wait3A = arith.constant 0 : i32
        %dma_wait3A_35 = tpu.memref_slice %arg2[%add3A_20, %dma_wait3A] : memref<4096x1000xf32, #tpu.memory_space<hbm>> -> memref<16x1000xf32, #tpu.memory_space<hbm>>
        %dma_wait3A_36 = arith.constant 0 : i32
        %dma_wait3A_37 = tpu.memref_slice %arg2[%add3A_20, %dma_wait3A_36] : memref<4096x1000xf32, #tpu.memory_space<hbm>> -> memref<16x1000xf32, #tpu.memory_space<hbm>>
        tpu.wait_dma2 semaphore(%run_scoped3A : memref<!tpu.dma_semaphore, #tpu.memory_space<semaphore_mem>>) src(%dma_wait3A_37 : memref<16x1000xf32, #tpu.memory_space<hbm>>) dst(%arg4 : memref<16x1000xf32, #tpu.memory_space<vmem>>)
        tpu.yield
      }) : () -> ()
      %scan3A_21 = arith.constant 0 : i32
      %scan3A_22 = arith.constant 0 : i32
      %scan3A_23 = arith.constant 16 : i32
      %scan3A_24 = arith.addi %scan3A_22, %scan3A_23 : i32
      %scan3A_25 = arith.constant 1 : i32
      %scan3A_26 = scf.for %scan3A_32 = %scan3A_22 to %scan3A_24 step %scan3A_25 iter_args(%scan3A_33 = %scan3A_21) -> (i32)  : i32 {
        %get3A = arith.index_cast %scan3A_32 : i32 to index
        %get3A_34 = arith.constant 0 : index
        %get3A_35 = tpu.vector_load %arg4[%get3A, %get3A_34] {strides = array<i32>} : memref<16x1000xf32, #tpu.memory_space<vmem>>, vector<1x16xf32>,
        %get3A_36 = vector.shape_cast %get3A_35 : vector<1x16xf32> to vector<16xf32>
        %get3A_37 = arith.index_cast %scan3A_32 : i32 to index
        %get3A_38 = arith.constant 16 : index
        %get3A_39 = tpu.vector_load %arg4[%get3A_37, %get3A_38] {strides = array<i32>} : memref<16x1000xf32, #tpu.memory_space<vmem>>, vector<1x16xf32>,
        %get3A_40 = vector.shape_cast %get3A_39 : vector<1x16xf32> to vector<16xf32>
        %gt3A = arith.cmpf ogt, %get3A_36, %broadcast_in_dim3A_7 : vector<16xf32>
        %add3A_41 = arith.constant 0.000000e+00 : f32
        %add3A_42 = vector.broadcast %add3A_41 : f32 to vector<16xf32>
        %add3A_43 = arith.addf %convert_element_type3A, %add3A_42 : vector<16xf32>
        %select_n3A = arith.select %gt3A, %add3A_43, %broadcast_in_dim3A_9 : vector<16xi1>, vector<16xf32>
        %gt3A_44 = arith.cmpf ogt, %get3A_40, %broadcast_in_dim3A_7 : vector<16xf32>
        %add3A_45 = arith.constant 1.600000e+01 : f32
        %add3A_46 = vector.broadcast %add3A_45 : f32 to vector<16xf32>
        %add3A_47 = arith.addf %convert_element_type3A, %add3A_46 : vector<16xf32>
        %select_n3A_48 = arith.select %gt3A_44, %add3A_47, %broadcast_in_dim3A_9 : vector<16xi1>, vector<16xf32>
        %max3A = arith.maximumf %broadcast_in_dim3A_7, %get3A_36 : vector<16xf32>
        %max3A_49 = arith.maximumf %broadcast_in_dim3A_7, %get3A_40 : vector<16xf32>
        %exp3A = math.exp %get3A_36 : vector<16xf32>
        %add3A_50 = arith.addf %broadcast_in_dim3A_9, %exp3A : vector<16xf32>
        %exp3A_51 = math.exp %get3A_40 : vector<16xf32>
        %add3A_52 = arith.addf %broadcast_in_dim3A_9, %exp3A_51 : vector<16xf32>
        %get3A_53 = arith.index_cast %scan3A_32 : i32 to index
        %get3A_54 = arith.constant 32 : index
        %get3A_55 = tpu.vector_load %arg4[%get3A_53, %get3A_54] {strides = array<i32>} : memref<16x1000xf32, #tpu.memory_space<vmem>>, vector<1x16xf32>,
        %get3A_56 = vector.shape_cast %get3A_55 : vector<1x16xf32> to vector<16xf32>
        %get3A_57 = arith.index_cast %scan3A_32 : i32 to index
        %get3A_58 = arith.constant 48 : index
        %get3A_59 = tpu.vector_load %arg4[%get3A_57, %get3A_58] {strides = array<i32>} : memref<16x1000xf32, #tpu.memory_space<vmem>>, vector<1x16xf32>,
        %get3A_60 = vector.shape_cast %get3A_59 : vector<1x16xf32> to vector<16xf32>
        %gt3A_61 = arith.cmpf ogt, %get3A_56, %max3A : vector<16xf32>
        %add3A_62 = arith.constant 3.200000e+01 : f32
        %add3A_63 = vector.broadcast %add3A_62 : f32 to vector<16xf32>
        %add3A_64 = arith.addf %convert_element_type3A, %add3A_63 : vector<16xf32>
        %select_n3A_65 = arith.select %gt3A_61, %add3A_64, %select_n3A : vector<16xi1>, vector<16xf32>
        %gt3A_66 = arith.cmpf ogt, %get3A_60, %max3A_49 : vector<16xf32>
        %add3A_67 = arith.constant 4.800000e+01 : f32
        %add3A_68 = vector.broadcast %add3A_67 : f32 to vector<16xf32>
        %add3A_69 = arith.addf %convert_element_type3A, %add3A_68 : vector<16xf32>
        %select_n3A_70 = arith.select %gt3A_66, %add3A_69, %select_n3A_48 : vector<16xi1>, vector<16xf32>
        %max3A_71 = arith.maximumf %max3A, %get3A_56 : vector<16xf32>
        %max3A_72 = arith.maximumf %max3A_49, %get3A_60 : vector<16xf32>
        %exp3A_73 = math.exp %get3A_56 : vector<16xf32>
        %add3A_74 = arith.addf %add3A_50, %exp3A_73 : vector<16xf32>
        %exp3A_75 = math.exp %get3A_60 : vector<16xf32>
        %add3A_76 = arith.addf %add3A_52, %exp3A_75 : vector<16xf32>
        %get3A_77 = arith.index_cast %scan3A_32 : i32 to index
        %get3A_78 = arith.constant 64 : index
        %get3A_79 = tpu.vector_load %arg4[%get3A_77, %get3A_78] {strides = array<i32>} : memref<16x1000xf32, #tpu.memory_space<vmem>>, vector<1x16xf32>,
        %get3A_80 = vector.shape_cast %get3A_79 : vector<1x16xf32> to vector<16xf32>
        %get3A_81 = arith.index_cast %scan3A_32 : i32 to index
        %get3A_82 = arith.constant 80 : index
        %get3A_83 = tpu.vector_load %arg4[%get3A_81, %get3A_82] {strides = array<i32>} : memref<16x1000xf32, #tpu.memory_space<vmem>>, vector<1x16xf32>,
        %get3A_84 = vector.shape_cast %get3A_83 : vector<1x16xf32> to vector<16xf32>
        %gt3A_85 = arith.cmpf ogt, %get3A_80, %max3A_71 : vector<16xf32>
        %add3A_86 = arith.constant 6.400000e+01 : f32
        %add3A_87 = vector.broadcast %add3A_86 : f32 to vector<16xf32>
        %add3A_88 = arith.addf %convert_element_type3A, %add3A_87 : vector<16xf32>
        %select_n3A_89 = arith.select %gt3A_85, %add3A_88, %select_n3A_65 : vector<16xi1>, vector<16xf32>
        %gt3A_90 = arith.cmpf ogt, %get3A_84, %max3A_72 : vector<16xf32>
        %add3A_91 = arith.constant 8.000000e+01 : f32
        %add3A_92 = vector.broadcast %add3A_91 : f32 to vector<16xf32>
        %add3A_93 = arith.addf %convert_element_type3A, %add3A_92 : vector<16xf32>
        %select_n3A_94 = arith.select %gt3A_90, %add3A_93, %select_n3A_70 : vector<16xi1>, vector<16xf32>
        %max3A_95 = arith.maximumf %max3A_71, %get3A_80 : vector<16xf32>
        %max3A_96 = arith.maximumf %max3A_72, %get3A_84 : vector<16xf32>
        %exp3A_97 = math.exp %get3A_80 : vector<16xf32>
        %add3A_98 = arith.addf %add3A_74, %exp3A_97 : vector<16xf32>
        %exp3A_99 = math.exp %get3A_84 : vector<16xf32>
        %add3A_100 = arith.addf %add3A_76, %exp3A_99 : vector<16xf32>
        %get3A_101 = arith.index_cast %scan3A_32 : i32 to index
        %get3A_102 = arith.constant 96 : index
        %get3A_103 = tpu.vector_load %arg4[%get3A_101, %get3A_102] {strides = array<i32>} : memref<16x1000xf32, #tpu.memory_space<vmem>>, vector<1x16xf32>,
        %get3A_104 = vector.shape_cast %get3A_103 : vector<1x16xf32> to vector<16xf32>
        %get3A_105 = arith.index_cast %scan3A_32 : i32 to index
        %get3A_106 = arith.constant 112 : index
        %get3A_107 = tpu.vector_load %arg4[%get3A_105, %get3A_106] {strides = array<i32>} : memref<16x1000xf32, #tpu.memory_space<vmem>>, vector<1x16xf32>,
        %get3A_108 = vector.shape_cast %get3A_107 : vector<1x16xf32> to vector<16xf32>
        %gt3A_109 = arith.cmpf ogt, %get3A_104, %max3A_95 : vector<16xf32>
        %add3A_110 = arith.constant 9.600000e+01 : f32
        %add3A_111 = vector.broadcast %add3A_110 : f32 to vector<16xf32>
        %add3A_112 = arith.addf %convert_element_type3A, %add3A_111 : vector<16xf32>
        %select_n3A_113 = arith.select %gt3A_109, %add3A_112, %select_n3A_89 : vector<16xi1>, vector<16xf32>
        %gt3A_114 = arith.cmpf ogt, %get3A_108, %max3A_96 : vector<16xf32>
        %add3A_115 = arith.constant 1.120000e+02 : f32
        %add3A_116 = vector.broadcast %add3A_115 : f32 to vector<16xf32>
        %add3A_117 = arith.addf %convert_element_type3A, %add3A_116 : vector<16xf32>
        %select_n3A_118 = arith.select %gt3A_114, %add3A_117, %select_n3A_94 : vector<16xi1>, vector<16xf32>
        %max3A_119 = arith.maximumf %max3A_95, %get3A_104 : vector<16xf32>
        %max3A_120 = arith.maximumf %max3A_96, %get3A_108 : vector<16xf32>
        %exp3A_121 = math.exp %get3A_104 : vector<16xf32>
        %add3A_122 = arith.addf %add3A_98, %exp3A_121 : vector<16xf32>
        %exp3A_123 = math.exp %get3A_108 : vector<16xf32>
        %add3A_124 = arith.addf %add3A_100, %exp3A_123 : vector<16xf32>
        %get3A_125 = arith.index_cast %scan3A_32 : i32 to index
        %get3A_126 = arith.constant 128 : index
        %get3A_127 = tpu.vector_load %arg4[%get3A_125, %get3A_126] {strides = array<i32>} : memref<16x1000xf32, #tpu.memory_space<vmem>>, vector<1x16xf32>,
        %get3A_128 = vector.shape_cast %get3A_127 : vector<1x16xf32> to vector<16xf32>
        %get3A_129 = arith.index_cast %scan3A_32 : i32 to index
        %get3A_130 = arith.constant 144 : index
        %get3A_131 = tpu.vector_load %arg4[%get3A_129, %get3A_130] {strides = array<i32>} : memref<16x1000xf32, #tpu.memory_space<vmem>>, vector<1x16xf32>,
        %get3A_132 = vector.shape_cast %get3A_131 : vector<1x16xf32> to vector<16xf32>
        %gt3A_133 = arith.cmpf ogt, %get3A_128, %max3A_119 : vector<16xf32>
        %add3A_134 = arith.constant 1.280000e+02 : f32
        %add3A_135 = vector.broadcast %add3A_134 : f32 to vector<16xf32>
        %add3A_136 = arith.addf %convert_element_type3A, %add3A_135 : vector<16xf32>
        %select_n3A_137 = arith.select %gt3A_133, %add3A_136, %select_n3A_113 : vector<16xi1>, vector<16xf32>
        %gt3A_138 = arith.cmpf ogt, %get3A_132, %max3A_120 : vector<16xf32>
        %add3A_139 = arith.constant 1.440000e+02 : f32
        %add3A_140 = vector.broadcast %add3A_139 : f32 to vector<16xf32>
        %add3A_141 = arith.addf %convert_element_type3A, %add3A_140 : vector<16xf32>
        %select_n3A_142 = arith.select %gt3A_138, %add3A_141, %select_n3A_118 : vector<16xi1>, vector<16xf32>
        %max3A_143 = arith.maximumf %max3A_119, %get3A_128 : vector<16xf32>
        %max3A_144 = arith.maximumf %max3A_120, %get3A_132 : vector<16xf32>
        %exp3A_145 = math.exp %get3A_128 : vector<16xf32>
        %add3A_146 = arith.addf %add3A_122, %exp3A_145 : vector<16xf32>
        %exp3A_147 = math.exp %get3A_132 : vector<16xf32>
        %add3A_148 = arith.addf %add3A_124, %exp3A_147 : vector<16xf32>
        %get3A_149 = arith.index_cast %scan3A_32 : i32 to index
        %get3A_150 = arith.constant 160 : index
        %get3A_151 = tpu.vector_load %arg4[%get3A_149, %get3A_150] {strides = array<i32>} : memref<16x1000xf32, #tpu.memory_space<vmem>>, vector<1x16xf32>,
        %get3A_152 = vector.shape_cast %get3A_151 : vector<1x16xf32> to vector<16xf32>
        %get3A_153 = arith.index_cast %scan3A_32 : i32 to index
        %get3A_154 = arith.constant 176 : index
        %get3A_155 = tpu.vector_load %arg4[%get3A_153, %get3A_154] {strides = array<i32>} : memref<16x1000xf32, #tpu.memory_space<vmem>>, vector<1x16xf32>,
        %get3A_156 = vector.shape_cast %get3A_155 : vector<1x16xf32> to vector<16xf32>
        %gt3A_157 = arith.cmpf ogt, %get3A_152, %max3A_143 : vector<16xf32>
        %add3A_158 = arith.constant 1.600000e+02 : f32
        %add3A_159 = vector.broadcast %add3A_158 : f32 to vector<16xf32>
        %add3A_160 = arith.addf %convert_element_type3A, %add3A_159 : vector<16xf32>
        %select_n3A_161 = arith.select %gt3A_157, %add3A_160, %select_n3A_137 : vector<16xi1>, vector<16xf32>
        %gt3A_162 = arith.cmpf ogt, %get3A_156, %max3A_144 : vector<16xf32>
        %add3A_163 = arith.constant 1.760000e+02 : f32
        %add3A_164 = vector.broadcast %add3A_163 : f32 to vector<16xf32>
        %add3A_165 = arith.addf %convert_element_type3A, %add3A_164 : vector<16xf32>
        %select_n3A_166 = arith.select %gt3A_162, %add3A_165, %select_n3A_142 : vector<16xi1>, vector<16xf32>
        %max3A_167 = arith.maximumf %max3A_143, %get3A_152 : vector<16xf32>
        %max3A_168 = arith.maximumf %max3A_144, %get3A_156 : vector<16xf32>
        %exp3A_169 = math.exp %get3A_152 : vector<16xf32>
        %add3A_170 = arith.addf %add3A_146, %exp3A_169 : vector<16xf32>
        %exp3A_171 = math.exp %get3A_156 : vector<16xf32>
        %add3A_172 = arith.addf %add3A_148, %exp3A_171 : vector<16xf32>
        %get3A_173 = arith.index_cast %scan3A_32 : i32 to index
        %get3A_174 = arith.constant 192 : index
        %get3A_175 = tpu.vector_load %arg4[%get3A_173, %get3A_174] {strides = array<i32>} : memref<16x1000xf32, #tpu.memory_space<vmem>>, vector<1x16xf32>,
        %get3A_176 = vector.shape_cast %get3A_175 : vector<1x16xf32> to vector<16xf32>
        %get3A_177 = arith.index_cast %scan3A_32 : i32 to index
        %get3A_178 = arith.constant 208 : index
        %get3A_179 = tpu.vector_load %arg4[%get3A_177, %get3A_178] {strides = array<i32>} : memref<16x1000xf32, #tpu.memory_space<vmem>>, vector<1x16xf32>,
        %get3A_180 = vector.shape_cast %get3A_179 : vector<1x16xf32> to vector<16xf32>
        %gt3A_181 = arith.cmpf ogt, %get3A_176, %max3A_167 : vector<16xf32>
        %add3A_182 = arith.constant 1.920000e+02 : f32
        %add3A_183 = vector.broadcast %add3A_182 : f32 to vector<16xf32>
        %add3A_184 = arith.addf %convert_element_type3A, %add3A_183 : vector<16xf32>
        %select_n3A_185 = arith.select %gt3A_181, %add3A_184, %select_n3A_161 : vector<16xi1>, vector<16xf32>
        %gt3A_186 = arith.cmpf ogt, %get3A_180, %max3A_168 : vector<16xf32>
        %add3A_187 = arith.constant 2.080000e+02 : f32
        %add3A_188 = vector.broadcast %add3A_187 : f32 to vector<16xf32>
        %add3A_189 = arith.addf %convert_element_type3A, %add3A_188 : vector<16xf32>
        %select_n3A_190 = arith.select %gt3A_186, %add3A_189, %select_n3A_166 : vector<16xi1>, vector<16xf32>
        %max3A_191 = arith.maximumf %max3A_167, %get3A_176 : vector<16xf32>
        %max3A_192 = arith.maximumf %max3A_168, %get3A_180 : vector<16xf32>
        %exp3A_193 = math.exp %get3A_176 : vector<16xf32>
        %add3A_194 = arith.addf %add3A_170, %exp3A_193 : vector<16xf32>
        %exp3A_195 = math.exp %get3A_180 : vector<16xf32>
        %add3A_196 = arith.addf %add3A_172, %exp3A_195 : vector<16xf32>
        %get3A_197 = arith.index_cast %scan3A_32 : i32 to index
        %get3A_198 = arith.constant 224 : index
        %get3A_199 = tpu.vector_load %arg4[%get3A_197, %get3A_198] {strides = array<i32>} : memref<16x1000xf32, #tpu.memory_space<vmem>>, vector<1x16xf32>,
        %get3A_200 = vector.shape_cast %get3A_199 : vector<1x16xf32> to vector<16xf32>
        %get3A_201 = arith.index_cast %scan3A_32 : i32 to index
        %get3A_202 = arith.constant 240 : index
        %get3A_203 = tpu.vector_load %arg4[%get3A_201, %get3A_202] {strides = array<i32>} : memref<16x1000xf32, #tpu.memory_space<vmem>>, vector<1x16xf32>,
        %get3A_204 = vector.shape_cast %get3A_203 : vector<1x16xf32> to vector<16xf32>
        %gt3A_205 = arith.cmpf ogt, %get3A_200, %max3A_191 : vector<16xf32>
        %add3A_206 = arith.constant 2.240000e+02 : f32
        %add3A_207 = vector.broadcast %add3A_206 : f32 to vector<16xf32>
        %add3A_208 = arith.addf %convert_element_type3A, %add3A_207 : vector<16xf32>
        %select_n3A_209 = arith.select %gt3A_205, %add3A_208, %select_n3A_185 : vector<16xi1>, vector<16xf32>
        %gt3A_210 = arith.cmpf ogt, %get3A_204, %max3A_192 : vector<16xf32>
        %add3A_211 = arith.constant 2.400000e+02 : f32
        %add3A_212 = vector.broadcast %add3A_211 : f32 to vector<16xf32>
        %add3A_213 = arith.addf %convert_element_type3A, %add3A_212 : vector<16xf32>
        %select_n3A_214 = arith.select %gt3A_210, %add3A_213, %select_n3A_190 : vector<16xi1>, vector<16xf32>
        %max3A_215 = arith.maximumf %max3A_191, %get3A_200 : vector<16xf32>
        %max3A_216 = arith.maximumf %max3A_192, %get3A_204 : vector<16xf32>
        %exp3A_217 = math.exp %get3A_200 : vector<16xf32>
        %add3A_218 = arith.addf %add3A_194, %exp3A_217 : vector<16xf32>
        %exp3A_219 = math.exp %get3A_204 : vector<16xf32>
        %add3A_220 = arith.addf %add3A_196, %exp3A_219 : vector<16xf32>
        %get3A_221 = arith.index_cast %scan3A_32 : i32 to index
        %get3A_222 = arith.constant 256 : index
        %get3A_223 = tpu.vector_load %arg4[%get3A_221, %get3A_222] {strides = array<i32>} : memref<16x1000xf32, #tpu.memory_space<vmem>>, vector<1x16xf32>,
        %get3A_224 = vector.shape_cast %get3A_223 : vector<1x16xf32> to vector<16xf32>
        %get3A_225 = arith.index_cast %scan3A_32 : i32 to index
        %get3A_226 = arith.constant 272 : index
        %get3A_227 = tpu.vector_load %arg4[%get3A_225, %get3A_226] {strides = array<i32>} : memref<16x1000xf32, #tpu.memory_space<vmem>>, vector<1x16xf32>,
        %get3A_228 = vector.shape_cast %get3A_227 : vector<1x16xf32> to vector<16xf32>
        %gt3A_229 = arith.cmpf ogt, %get3A_224, %max3A_215 : vector<16xf32>
        %add3A_230 = arith.constant 2.560000e+02 : f32
        %add3A_231 = vector.broadcast %add3A_230 : f32 to vector<16xf32>
        %add3A_232 = arith.addf %convert_element_type3A, %add3A_231 : vector<16xf32>
        %select_n3A_233 = arith.select %gt3A_229, %add3A_232, %select_n3A_209 : vector<16xi1>, vector<16xf32>
        %gt3A_234 = arith.cmpf ogt, %get3A_228, %max3A_216 : vector<16xf32>
        %add3A_235 = arith.constant 2.720000e+02 : f32
        %add3A_236 = vector.broadcast %add3A_235 : f32 to vector<16xf32>
        %add3A_237 = arith.addf %convert_element_type3A, %add3A_236 : vector<16xf32>
        %select_n3A_238 = arith.select %gt3A_234, %add3A_237, %select_n3A_214 : vector<16xi1>, vector<16xf32>
        %max3A_239 = arith.maximumf %max3A_215, %get3A_224 : vector<16xf32>
        %max3A_240 = arith.maximumf %max3A_216, %get3A_228 : vector<16xf32>
        %exp3A_241 = math.exp %get3A_224 : vector<16xf32>
        %add3A_242 = arith.addf %add3A_218, %exp3A_241 : vector<16xf32>
        %exp3A_243 = math.exp %get3A_228 : vector<16xf32>
        %add3A_244 = arith.addf %add3A_220, %exp3A_243 : vector<16xf32>
        %get3A_245 = arith.index_cast %scan3A_32 : i32 to index
        %get3A_246 = arith.constant 288 : index
        %get3A_247 = tpu.vector_load %arg4[%get3A_245, %get3A_246] {strides = array<i32>} : memref<16x1000xf32, #tpu.memory_space<vmem>>, vector<1x16xf32>,
        %get3A_248 = vector.shape_cast %get3A_247 : vector<1x16xf32> to vector<16xf32>
        %get3A_249 = arith.index_cast %scan3A_32 : i32 to index
        %get3A_250 = arith.constant 304 : index
        %get3A_251 = tpu.vector_load %arg4[%get3A_249, %get3A_250] {strides = array<i32>} : memref<16x1000xf32, #tpu.memory_space<vmem>>, vector<1x16xf32>,
        %get3A_252 = vector.shape_cast %get3A_251 : vector<1x16xf32> to vector<16xf32>
        %gt3A_253 = arith.cmpf ogt, %get3A_248, %max3A_239 : vector<16xf32>
        %add3A_254 = arith.constant 2.880000e+02 : f32
        %add3A_255 = vector.broadcast %add3A_254 : f32 to vector<16xf32>
        %add3A_256 = arith.addf %convert_element_type3A, %add3A_255 : vector<16xf32>
        %select_n3A_257 = arith.select %gt3A_253, %add3A_256, %select_n3A_233 : vector<16xi1>, vector<16xf32>
        %gt3A_258 = arith.cmpf ogt, %get3A_252, %max3A_240 : vector<16xf32>
        %add3A_259 = arith.constant 3.040000e+02 : f32
        %add3A_260 = vector.broadcast %add3A_259 : f32 to vector<16xf32>
        %add3A_261 = arith.addf %convert_element_type3A, %add3A_260 : vector<16xf32>
        %select_n3A_262 = arith.select %gt3A_258, %add3A_261, %select_n3A_238 : vector<16xi1>, vector<16xf32>
        %max3A_263 = arith.maximumf %max3A_239, %get3A_248 : vector<16xf32>
        %max3A_264 = arith.maximumf %max3A_240, %get3A_252 : vector<16xf32>
        %exp3A_265 = math.exp %get3A_248 : vector<16xf32>
        %add3A_266 = arith.addf %add3A_242, %exp3A_265 : vector<16xf32>
        %exp3A_267 = math.exp %get3A_252 : vector<16xf32>
        %add3A_268 = arith.addf %add3A_244, %exp3A_267 : vector<16xf32>
        %get3A_269 = arith.index_cast %scan3A_32 : i32 to index
        %get3A_270 = arith.constant 320 : index
        %get3A_271 = tpu.vector_load %arg4[%get3A_269, %get3A_270] {strides = array<i32>} : memref<16x1000xf32, #tpu.memory_space<vmem>>, vector<1x16xf32>,
        %get3A_272 = vector.shape_cast %get3A_271 : vector<1x16xf32> to vector<16xf32>
        %get3A_273 = arith.index_cast %scan3A_32 : i32 to index
        %get3A_274 = arith.constant 336 : index
        %get3A_275 = tpu.vector_load %arg4[%get3A_273, %get3A_274] {strides = array<i32>} : memref<16x1000xf32, #tpu.memory_space<vmem>>, vector<1x16xf32>,
        %get3A_276 = vector.shape_cast %get3A_275 : vector<1x16xf32> to vector<16xf32>
        %gt3A_277 = arith.cmpf ogt, %get3A_272, %max3A_263 : vector<16xf32>
        %add3A_278 = arith.constant 3.200000e+02 : f32
        %add3A_279 = vector.broadcast %add3A_278 : f32 to vector<16xf32>
        %add3A_280 = arith.addf %convert_element_type3A, %add3A_279 : vector<16xf32>
        %select_n3A_281 = arith.select %gt3A_277, %add3A_280, %select_n3A_257 : vector<16xi1>, vector<16xf32>
        %gt3A_282 = arith.cmpf ogt, %get3A_276, %max3A_264 : vector<16xf32>
        %add3A_283 = arith.constant 3.360000e+02 : f32
        %add3A_284 = vector.broadcast %add3A_283 : f32 to vector<16xf32>
        %add3A_285 = arith.addf %convert_element_type3A, %add3A_284 : vector<16xf32>
        %select_n3A_286 = arith.select %gt3A_282, %add3A_285, %select_n3A_262 : vector<16xi1>, vector<16xf32>
        %max3A_287 = arith.maximumf %max3A_263, %get3A_272 : vector<16xf32>
        %max3A_288 = arith.maximumf %max3A_264, %get3A_276 : vector<16xf32>
        %exp3A_289 = math.exp %get3A_272 : vector<16xf32>
        %add3A_290 = arith.addf %add3A_266, %exp3A_289 : vector<16xf32>
        %exp3A_291 = math.exp %get3A_276 : vector<16xf32>
        %add3A_292 = arith.addf %add3A_268, %exp3A_291 : vector<16xf32>
        %get3A_293 = arith.index_cast %scan3A_32 : i32 to index
        %get3A_294 = arith.constant 352 : index
        %get3A_295 = tpu.vector_load %arg4[%get3A_293, %get3A_294] {strides = array<i32>} : memref<16x1000xf32, #tpu.memory_space<vmem>>, vector<1x16xf32>,
        %get3A_296 = vector.shape_cast %get3A_295 : vector<1x16xf32> to vector<16xf32>
        %get3A_297 = arith.index_cast %scan3A_32 : i32 to index
        %get3A_298 = arith.constant 368 : index
        %get3A_299 = tpu.vector_load %arg4[%get3A_297, %get3A_298] {strides = array<i32>} : memref<16x1000xf32, #tpu.memory_space<vmem>>, vector<1x16xf32>,
        %get3A_300 = vector.shape_cast %get3A_299 : vector<1x16xf32> to vector<16xf32>
        %gt3A_301 = arith.cmpf ogt, %get3A_296, %max3A_287 : vector<16xf32>
        %add3A_302 = arith.constant 3.520000e+02 : f32
        %add3A_303 = vector.broadcast %add3A_302 : f32 to vector<16xf32>
        %add3A_304 = arith.addf %convert_element_type3A, %add3A_303 : vector<16xf32>
        %select_n3A_305 = arith.select %gt3A_301, %add3A_304, %select_n3A_281 : vector<16xi1>, vector<16xf32>
        %gt3A_306 = arith.cmpf ogt, %get3A_300, %max3A_288 : vector<16xf32>
        %add3A_307 = arith.constant 3.680000e+02 : f32
        %add3A_308 = vector.broadcast %add3A_307 : f32 to vector<16xf32>
        %add3A_309 = arith.addf %convert_element_type3A, %add3A_308 : vector<16xf32>
        %select_n3A_310 = arith.select %gt3A_306, %add3A_309, %select_n3A_286 : vector<16xi1>, vector<16xf32>
        %max3A_311 = arith.maximumf %max3A_287, %get3A_296 : vector<16xf32>
        %max3A_312 = arith.maximumf %max3A_288, %get3A_300 : vector<16xf32>
        %exp3A_313 = math.exp %get3A_296 : vector<16xf32>
        %add3A_314 = arith.addf %add3A_290, %exp3A_313 : vector<16xf32>
        %exp3A_315 = math.exp %get3A_300 : vector<16xf32>
        %add3A_316 = arith.addf %add3A_292, %exp3A_315 : vector<16xf32>
        %get3A_317 = arith.index_cast %scan3A_32 : i32 to index
        %get3A_318 = arith.constant 384 : index
        %get3A_319 = tpu.vector_load %arg4[%get3A_317, %get3A_318] {strides = array<i32>} : memref<16x1000xf32, #tpu.memory_space<vmem>>, vector<1x16xf32>,
        %get3A_320 = vector.shape_cast %get3A_319 : vector<1x16xf32> to vector<16xf32>
        %get3A_321 = arith.index_cast %scan3A_32 : i32 to index
        %get3A_322 = arith.constant 400 : index
        %get3A_323 = tpu.vector_load %arg4[%get3A_321, %get3A_322] {strides = array<i32>} : memref<16x1000xf32, #tpu.memory_space<vmem>>, vector<1x16xf32>,
        %get3A_324 = vector.shape_cast %get3A_323 : vector<1x16xf32> to vector<16xf32>
        %gt3A_325 = arith.cmpf ogt, %get3A_320, %max3A_311 : vector<16xf32>
        %add3A_326 = arith.constant 3.840000e+02 : f32
        %add3A_327 = vector.broadcast %add3A_326 : f32 to vector<16xf32>
        %add3A_328 = arith.addf %convert_element_type3A, %add3A_327 : vector<16xf32>
        %select_n3A_329 = arith.select %gt3A_325, %add3A_328, %select_n3A_305 : vector<16xi1>, vector<16xf32>
        %gt3A_330 = arith.cmpf ogt, %get3A_324, %max3A_312 : vector<16xf32>
        %add3A_331 = arith.constant 4.000000e+02 : f32
        %add3A_332 = vector.broadcast %add3A_331 : f32 to vector<16xf32>
        %add3A_333 = arith.addf %convert_element_type3A, %add3A_332 : vector<16xf32>
        %select_n3A_334 = arith.select %gt3A_330, %add3A_333, %select_n3A_310 : vector<16xi1>, vector<16xf32>
        %max3A_335 = arith.maximumf %max3A_311, %get3A_320 : vector<16xf32>
        %max3A_336 = arith.maximumf %max3A_312, %get3A_324 : vector<16xf32>
        %exp3A_337 = math.exp %get3A_320 : vector<16xf32>
        %add3A_338 = arith.addf %add3A_314, %exp3A_337 : vector<16xf32>
        %exp3A_339 = math.exp %get3A_324 : vector<16xf32>
        %add3A_340 = arith.addf %add3A_316, %exp3A_339 : vector<16xf32>
        %get3A_341 = arith.index_cast %scan3A_32 : i32 to index
        %get3A_342 = arith.constant 416 : index
        %get3A_343 = tpu.vector_load %arg4[%get3A_341, %get3A_342] {strides = array<i32>} : memref<16x1000xf32, #tpu.memory_space<vmem>>, vector<1x16xf32>,
        %get3A_344 = vector.shape_cast %get3A_343 : vector<1x16xf32> to vector<16xf32>
        %get3A_345 = arith.index_cast %scan3A_32 : i32 to index
        %get3A_346 = arith.constant 432 : index
        %get3A_347 = tpu.vector_load %arg4[%get3A_345, %get3A_346] {strides = array<i32>} : memref<16x1000xf32, #tpu.memory_space<vmem>>, vector<1x16xf32>,
        %get3A_348 = vector.shape_cast %get3A_347 : vector<1x16xf32> to vector<16xf32>
        %gt3A_349 = arith.cmpf ogt, %get3A_344, %max3A_335 : vector<16xf32>
        %add3A_350 = arith.constant 4.160000e+02 : f32
        %add3A_351 = vector.broadcast %add3A_350 : f32 to vector<16xf32>
        %add3A_352 = arith.addf %convert_element_type3A, %add3A_351 : vector<16xf32>
        %select_n3A_353 = arith.select %gt3A_349, %add3A_352, %select_n3A_329 : vector<16xi1>, vector<16xf32>
        %gt3A_354 = arith.cmpf ogt, %get3A_348, %max3A_336 : vector<16xf32>
        %add3A_355 = arith.constant 4.320000e+02 : f32
        %add3A_356 = vector.broadcast %add3A_355 : f32 to vector<16xf32>
        %add3A_357 = arith.addf %convert_element_type3A, %add3A_356 : vector<16xf32>
        %select_n3A_358 = arith.select %gt3A_354, %add3A_357, %select_n3A_334 : vector<16xi1>, vector<16xf32>
        %max3A_359 = arith.maximumf %max3A_335, %get3A_344 : vector<16xf32>
        %max3A_360 = arith.maximumf %max3A_336, %get3A_348 : vector<16xf32>
        %exp3A_361 = math.exp %get3A_344 : vector<16xf32>
        %add3A_362 = arith.addf %add3A_338, %exp3A_361 : vector<16xf32>
        %exp3A_363 = math.exp %get3A_348 : vector<16xf32>
        %add3A_364 = arith.addf %add3A_340, %exp3A_363 : vector<16xf32>
        %get3A_365 = arith.index_cast %scan3A_32 : i32 to index
        %get3A_366 = arith.constant 448 : index
        %get3A_367 = tpu.vector_load %arg4[%get3A_365, %get3A_366] {strides = array<i32>} : memref<16x1000xf32, #tpu.memory_space<vmem>>, vector<1x16xf32>,
        %get3A_368 = vector.shape_cast %get3A_367 : vector<1x16xf32> to vector<16xf32>
        %get3A_369 = arith.index_cast %scan3A_32 : i32 to index
        %get3A_370 = arith.constant 464 : index
        %get3A_371 = tpu.vector_load %arg4[%get3A_369, %get3A_370] {strides = array<i32>} : memref<16x1000xf32, #tpu.memory_space<vmem>>, vector<1x16xf32>,
        %get3A_372 = vector.shape_cast %get3A_371 : vector<1x16xf32> to vector<16xf32>
        %gt3A_373 = arith.cmpf ogt, %get3A_368, %max3A_359 : vector<16xf32>
        %add3A_374 = arith.constant 4.480000e+02 : f32
        %add3A_375 = vector.broadcast %add3A_374 : f32 to vector<16xf32>
        %add3A_376 = arith.addf %convert_element_type3A, %add3A_375 : vector<16xf32>
        %select_n3A_377 = arith.select %gt3A_373, %add3A_376, %select_n3A_353 : vector<16xi1>, vector<16xf32>
        %gt3A_378 = arith.cmpf ogt, %get3A_372, %max3A_360 : vector<16xf32>
        %add3A_379 = arith.constant 4.640000e+02 : f32
        %add3A_380 = vector.broadcast %add3A_379 : f32 to vector<16xf32>
        %add3A_381 = arith.addf %convert_element_type3A, %add3A_380 : vector<16xf32>
        %select_n3A_382 = arith.select %gt3A_378, %add3A_381, %select_n3A_358 : vector<16xi1>, vector<16xf32>
        %max3A_383 = arith.maximumf %max3A_359, %get3A_368 : vector<16xf32>
        %max3A_384 = arith.maximumf %max3A_360, %get3A_372 : vector<16xf32>
        %exp3A_385 = math.exp %get3A_368 : vector<16xf32>
        %add3A_386 = arith.addf %add3A_362, %exp3A_385 : vector<16xf32>
        %exp3A_387 = math.exp %get3A_372 : vector<16xf32>
        %add3A_388 = arith.addf %add3A_364, %exp3A_387 : vector<16xf32>
        %get3A_389 = arith.index_cast %scan3A_32 : i32 to index
        %get3A_390 = arith.constant 480 : index
        %get3A_391 = tpu.vector_load %arg4[%get3A_389, %get3A_390] {strides = array<i32>} : memref<16x1000xf32, #tpu.memory_space<vmem>>, vector<1x16xf32>,
        %get3A_392 = vector.shape_cast %get3A_391 : vector<1x16xf32> to vector<16xf32>
        %get3A_393 = arith.index_cast %scan3A_32 : i32 to index
        %get3A_394 = arith.constant 496 : index
        %get3A_395 = tpu.vector_load %arg4[%get3A_393, %get3A_394] {strides = array<i32>} : memref<16x1000xf32, #tpu.memory_space<vmem>>, vector<1x16xf32>,
        %get3A_396 = vector.shape_cast %get3A_395 : vector<1x16xf32> to vector<16xf32>
        %gt3A_397 = arith.cmpf ogt, %get3A_392, %max3A_383 : vector<16xf32>
        %add3A_398 = arith.constant 4.800000e+02 : f32
        %add3A_399 = vector.broadcast %add3A_398 : f32 to vector<16xf32>
        %add3A_400 = arith.addf %convert_element_type3A, %add3A_399 : vector<16xf32>
        %select_n3A_401 = arith.select %gt3A_397, %add3A_400, %select_n3A_377 : vector<16xi1>, vector<16xf32>
        %gt3A_402 = arith.cmpf ogt, %get3A_396, %max3A_384 : vector<16xf32>
        %add3A_403 = arith.constant 4.960000e+02 : f32
        %add3A_404 = vector.broadcast %add3A_403 : f32 to vector<16xf32>
        %add3A_405 = arith.addf %convert_element_type3A, %add3A_404 : vector<16xf32>
        %select_n3A_406 = arith.select %gt3A_402, %add3A_405, %select_n3A_382 : vector<16xi1>, vector<16xf32>
        %max3A_407 = arith.maximumf %max3A_383, %get3A_392 : vector<16xf32>
        %max3A_408 = arith.maximumf %max3A_384, %get3A_396 : vector<16xf32>
        %exp3A_409 = math.exp %get3A_392 : vector<16xf32>
        %add3A_410 = arith.addf %add3A_386, %exp3A_409 : vector<16xf32>
        %exp3A_411 = math.exp %get3A_396 : vector<16xf32>
        %add3A_412 = arith.addf %add3A_388, %exp3A_411 : vector<16xf32>
        %get3A_413 = arith.index_cast %scan3A_32 : i32 to index
        %get3A_414 = arith.constant 512 : index
        %get3A_415 = tpu.vector_load %arg4[%get3A_413, %get3A_414] {strides = array<i32>} : memref<16x1000xf32, #tpu.memory_space<vmem>>, vector<1x16xf32>,
        %get3A_416 = vector.shape_cast %get3A_415 : vector<1x16xf32> to vector<16xf32>
        %get3A_417 = arith.index_cast %scan3A_32 : i32 to index
        %get3A_418 = arith.constant 528 : index
        %get3A_419 = tpu.vector_load %arg4[%get3A_417, %get3A_418] {strides = array<i32>} : memref<16x1000xf32, #tpu.memory_space<vmem>>, vector<1x16xf32>,
        %get3A_420 = vector.shape_cast %get3A_419 : vector<1x16xf32> to vector<16xf32>
        %gt3A_421 = arith.cmpf ogt, %get3A_416, %max3A_407 : vector<16xf32>
        %add3A_422 = arith.constant 5.120000e+02 : f32
        %add3A_423 = vector.broadcast %add3A_422 : f32 to vector<16xf32>
        %add3A_424 = arith.addf %convert_element_type3A, %add3A_423 : vector<16xf32>
        %select_n3A_425 = arith.select %gt3A_421, %add3A_424, %select_n3A_401 : vector<16xi1>, vector<16xf32>
        %gt3A_426 = arith.cmpf ogt, %get3A_420, %max3A_408 : vector<16xf32>
        %add3A_427 = arith.constant 5.280000e+02 : f32
        %add3A_428 = vector.broadcast %add3A_427 : f32 to vector<16xf32>
        %add3A_429 = arith.addf %convert_element_type3A, %add3A_428 : vector<16xf32>
        %select_n3A_430 = arith.select %gt3A_426, %add3A_429, %select_n3A_406 : vector<16xi1>, vector<16xf32>
        %max3A_431 = arith.maximumf %max3A_407, %get3A_416 : vector<16xf32>
        %max3A_432 = arith.maximumf %max3A_408, %get3A_420 : vector<16xf32>
        %exp3A_433 = math.exp %get3A_416 : vector<16xf32>
        %add3A_434 = arith.addf %add3A_410, %exp3A_433 : vector<16xf32>
        %exp3A_435 = math.exp %get3A_420 : vector<16xf32>
        %add3A_436 = arith.addf %add3A_412, %exp3A_435 : vector<16xf32>
        %get3A_437 = arith.index_cast %scan3A_32 : i32 to index
        %get3A_438 = arith.constant 544 : index
        %get3A_439 = tpu.vector_load %arg4[%get3A_437, %get3A_438] {strides = array<i32>} : memref<16x1000xf32, #tpu.memory_space<vmem>>, vector<1x16xf32>,
        %get3A_440 = vector.shape_cast %get3A_439 : vector<1x16xf32> to vector<16xf32>
        %get3A_441 = arith.index_cast %scan3A_32 : i32 to index
        %get3A_442 = arith.constant 560 : index
        %get3A_443 = tpu.vector_load %arg4[%get3A_441, %get3A_442] {strides = array<i32>} : memref<16x1000xf32, #tpu.memory_space<vmem>>, vector<1x16xf32>,
        %get3A_444 = vector.shape_cast %get3A_443 : vector<1x16xf32> to vector<16xf32>
        %gt3A_445 = arith.cmpf ogt, %get3A_440, %max3A_431 : vector<16xf32>
        %add3A_446 = arith.constant 5.440000e+02 : f32
        %add3A_447 = vector.broadcast %add3A_446 : f32 to vector<16xf32>
        %add3A_448 = arith.addf %convert_element_type3A, %add3A_447 : vector<16xf32>
        %select_n3A_449 = arith.select %gt3A_445, %add3A_448, %select_n3A_425 : vector<16xi1>, vector<16xf32>
        %gt3A_450 = arith.cmpf ogt, %get3A_444, %max3A_432 : vector<16xf32>
        %add3A_451 = arith.constant 5.600000e+02 : f32
        %add3A_452 = vector.broadcast %add3A_451 : f32 to vector<16xf32>
        %add3A_453 = arith.addf %convert_element_type3A, %add3A_452 : vector<16xf32>
        %select_n3A_454 = arith.select %gt3A_450, %add3A_453, %select_n3A_430 : vector<16xi1>, vector<16xf32>
        %max3A_455 = arith.maximumf %max3A_431, %get3A_440 : vector<16xf32>
        %max3A_456 = arith.maximumf %max3A_432, %get3A_444 : vector<16xf32>
        %exp3A_457 = math.exp %get3A_440 : vector<16xf32>
        %add3A_458 = arith.addf %add3A_434, %exp3A_457 : vector<16xf32>
        %exp3A_459 = math.exp %get3A_444 : vector<16xf32>
        %add3A_460 = arith.addf %add3A_436, %exp3A_459 : vector<16xf32>
        %get3A_461 = arith.index_cast %scan3A_32 : i32 to index
        %get3A_462 = arith.constant 576 : index
        %get3A_463 = tpu.vector_load %arg4[%get3A_461, %get3A_462] {strides = array<i32>} : memref<16x1000xf32, #tpu.memory_space<vmem>>, vector<1x16xf32>,
        %get3A_464 = vector.shape_cast %get3A_463 : vector<1x16xf32> to vector<16xf32>
        %get3A_465 = arith.index_cast %scan3A_32 : i32 to index
        %get3A_466 = arith.constant 592 : index
        %get3A_467 = tpu.vector_load %arg4[%get3A_465, %get3A_466] {strides = array<i32>} : memref<16x1000xf32, #tpu.memory_space<vmem>>, vector<1x16xf32>,
        %get3A_468 = vector.shape_cast %get3A_467 : vector<1x16xf32> to vector<16xf32>
        %gt3A_469 = arith.cmpf ogt, %get3A_464, %max3A_455 : vector<16xf32>
        %add3A_470 = arith.constant 5.760000e+02 : f32
        %add3A_471 = vector.broadcast %add3A_470 : f32 to vector<16xf32>
        %add3A_472 = arith.addf %convert_element_type3A, %add3A_471 : vector<16xf32>
        %select_n3A_473 = arith.select %gt3A_469, %add3A_472, %select_n3A_449 : vector<16xi1>, vector<16xf32>
        %gt3A_474 = arith.cmpf ogt, %get3A_468, %max3A_456 : vector<16xf32>
        %add3A_475 = arith.constant 5.920000e+02 : f32
        %add3A_476 = vector.broadcast %add3A_475 : f32 to vector<16xf32>
        %add3A_477 = arith.addf %convert_element_type3A, %add3A_476 : vector<16xf32>
        %select_n3A_478 = arith.select %gt3A_474, %add3A_477, %select_n3A_454 : vector<16xi1>, vector<16xf32>
        %max3A_479 = arith.maximumf %max3A_455, %get3A_464 : vector<16xf32>
        %max3A_480 = arith.maximumf %max3A_456, %get3A_468 : vector<16xf32>
        %exp3A_481 = math.exp %get3A_464 : vector<16xf32>
        %add3A_482 = arith.addf %add3A_458, %exp3A_481 : vector<16xf32>
        %exp3A_483 = math.exp %get3A_468 : vector<16xf32>
        %add3A_484 = arith.addf %add3A_460, %exp3A_483 : vector<16xf32>
        %get3A_485 = arith.index_cast %scan3A_32 : i32 to index
        %get3A_486 = arith.constant 608 : index
        %get3A_487 = tpu.vector_load %arg4[%get3A_485, %get3A_486] {strides = array<i32>} : memref<16x1000xf32, #tpu.memory_space<vmem>>, vector<1x16xf32>,
        %get3A_488 = vector.shape_cast %get3A_487 : vector<1x16xf32> to vector<16xf32>
        %get3A_489 = arith.index_cast %scan3A_32 : i32 to index
        %get3A_490 = arith.constant 624 : index
        %get3A_491 = tpu.vector_load %arg4[%get3A_489, %get3A_490] {strides = array<i32>} : memref<16x1000xf32, #tpu.memory_space<vmem>>, vector<1x16xf32>,
        %get3A_492 = vector.shape_cast %get3A_491 : vector<1x16xf32> to vector<16xf32>
        %gt3A_493 = arith.cmpf ogt, %get3A_488, %max3A_479 : vector<16xf32>
        %add3A_494 = arith.constant 6.080000e+02 : f32
        %add3A_495 = vector.broadcast %add3A_494 : f32 to vector<16xf32>
        %add3A_496 = arith.addf %convert_element_type3A, %add3A_495 : vector<16xf32>
        %select_n3A_497 = arith.select %gt3A_493, %add3A_496, %select_n3A_473 : vector<16xi1>, vector<16xf32>
        %gt3A_498 = arith.cmpf ogt, %get3A_492, %max3A_480 : vector<16xf32>
        %add3A_499 = arith.constant 6.240000e+02 : f32
        %add3A_500 = vector.broadcast %add3A_499 : f32 to vector<16xf32>
        %add3A_501 = arith.addf %convert_element_type3A, %add3A_500 : vector<16xf32>
        %select_n3A_502 = arith.select %gt3A_498, %add3A_501, %select_n3A_478 : vector<16xi1>, vector<16xf32>
        %max3A_503 = arith.maximumf %max3A_479, %get3A_488 : vector<16xf32>
        %max3A_504 = arith.maximumf %max3A_480, %get3A_492 : vector<16xf32>
        %exp3A_505 = math.exp %get3A_488 : vector<16xf32>
        %add3A_506 = arith.addf %add3A_482, %exp3A_505 : vector<16xf32>
        %exp3A_507 = math.exp %get3A_492 : vector<16xf32>
        %add3A_508 = arith.addf %add3A_484, %exp3A_507 : vector<16xf32>
        %get3A_509 = arith.index_cast %scan3A_32 : i32 to index
        %get3A_510 = arith.constant 640 : index
        %get3A_511 = tpu.vector_load %arg4[%get3A_509, %get3A_510] {strides = array<i32>} : memref<16x1000xf32, #tpu.memory_space<vmem>>, vector<1x16xf32>,
        %get3A_512 = vector.shape_cast %get3A_511 : vector<1x16xf32> to vector<16xf32>
        %get3A_513 = arith.index_cast %scan3A_32 : i32 to index
        %get3A_514 = arith.constant 656 : index
        %get3A_515 = tpu.vector_load %arg4[%get3A_513, %get3A_514] {strides = array<i32>} : memref<16x1000xf32, #tpu.memory_space<vmem>>, vector<1x16xf32>,
        %get3A_516 = vector.shape_cast %get3A_515 : vector<1x16xf32> to vector<16xf32>
        %gt3A_517 = arith.cmpf ogt, %get3A_512, %max3A_503 : vector<16xf32>
        %add3A_518 = arith.constant 6.400000e+02 : f32
        %add3A_519 = vector.broadcast %add3A_518 : f32 to vector<16xf32>
        %add3A_520 = arith.addf %convert_element_type3A, %add3A_519 : vector<16xf32>
        %select_n3A_521 = arith.select %gt3A_517, %add3A_520, %select_n3A_497 : vector<16xi1>, vector<16xf32>
        %gt3A_522 = arith.cmpf ogt, %get3A_516, %max3A_504 : vector<16xf32>
        %add3A_523 = arith.constant 6.560000e+02 : f32
        %add3A_524 = vector.broadcast %add3A_523 : f32 to vector<16xf32>
        %add3A_525 = arith.addf %convert_element_type3A, %add3A_524 : vector<16xf32>
        %select_n3A_526 = arith.select %gt3A_522, %add3A_525, %select_n3A_502 : vector<16xi1>, vector<16xf32>
        %max3A_527 = arith.maximumf %max3A_503, %get3A_512 : vector<16xf32>
        %max3A_528 = arith.maximumf %max3A_504, %get3A_516 : vector<16xf32>
        %exp3A_529 = math.exp %get3A_512 : vector<16xf32>
        %add3A_530 = arith.addf %add3A_506, %exp3A_529 : vector<16xf32>
        %exp3A_531 = math.exp %get3A_516 : vector<16xf32>
        %add3A_532 = arith.addf %add3A_508, %exp3A_531 : vector<16xf32>
        %get3A_533 = arith.index_cast %scan3A_32 : i32 to index
        %get3A_534 = arith.constant 672 : index
        %get3A_535 = tpu.vector_load %arg4[%get3A_533, %get3A_534] {strides = array<i32>} : memref<16x1000xf32, #tpu.memory_space<vmem>>, vector<1x16xf32>,
        %get3A_536 = vector.shape_cast %get3A_535 : vector<1x16xf32> to vector<16xf32>
        %get3A_537 = arith.index_cast %scan3A_32 : i32 to index
        %get3A_538 = arith.constant 688 : index
        %get3A_539 = tpu.vector_load %arg4[%get3A_537, %get3A_538] {strides = array<i32>} : memref<16x1000xf32, #tpu.memory_space<vmem>>, vector<1x16xf32>,
        %get3A_540 = vector.shape_cast %get3A_539 : vector<1x16xf32> to vector<16xf32>
        %gt3A_541 = arith.cmpf ogt, %get3A_536, %max3A_527 : vector<16xf32>
        %add3A_542 = arith.constant 6.720000e+02 : f32
        %add3A_543 = vector.broadcast %add3A_542 : f32 to vector<16xf32>
        %add3A_544 = arith.addf %convert_element_type3A, %add3A_543 : vector<16xf32>
        %select_n3A_545 = arith.select %gt3A_541, %add3A_544, %select_n3A_521 : vector<16xi1>, vector<16xf32>
        %gt3A_546 = arith.cmpf ogt, %get3A_540, %max3A_528 : vector<16xf32>
        %add3A_547 = arith.constant 6.880000e+02 : f32
        %add3A_548 = vector.broadcast %add3A_547 : f32 to vector<16xf32>
        %add3A_549 = arith.addf %convert_element_type3A, %add3A_548 : vector<16xf32>
        %select_n3A_550 = arith.select %gt3A_546, %add3A_549, %select_n3A_526 : vector<16xi1>, vector<16xf32>
        %max3A_551 = arith.maximumf %max3A_527, %get3A_536 : vector<16xf32>
        %max3A_552 = arith.maximumf %max3A_528, %get3A_540 : vector<16xf32>
        %exp3A_553 = math.exp %get3A_536 : vector<16xf32>
        %add3A_554 = arith.addf %add3A_530, %exp3A_553 : vector<16xf32>
        %exp3A_555 = math.exp %get3A_540 : vector<16xf32>
        %add3A_556 = arith.addf %add3A_532, %exp3A_555 : vector<16xf32>
        %get3A_557 = arith.index_cast %scan3A_32 : i32 to index
        %get3A_558 = arith.constant 704 : index
        %get3A_559 = tpu.vector_load %arg4[%get3A_557, %get3A_558] {strides = array<i32>} : memref<16x1000xf32, #tpu.memory_space<vmem>>, vector<1x16xf32>,
        %get3A_560 = vector.shape_cast %get3A_559 : vector<1x16xf32> to vector<16xf32>
        %get3A_561 = arith.index_cast %scan3A_32 : i32 to index
        %get3A_562 = arith.constant 720 : index
        %get3A_563 = tpu.vector_load %arg4[%get3A_561, %get3A_562] {strides = array<i32>} : memref<16x1000xf32, #tpu.memory_space<vmem>>, vector<1x16xf32>,
        %get3A_564 = vector.shape_cast %get3A_563 : vector<1x16xf32> to vector<16xf32>
        %gt3A_565 = arith.cmpf ogt, %get3A_560, %max3A_551 : vector<16xf32>
        %add3A_566 = arith.constant 7.040000e+02 : f32
        %add3A_567 = vector.broadcast %add3A_566 : f32 to vector<16xf32>
        %add3A_568 = arith.addf %convert_element_type3A, %add3A_567 : vector<16xf32>
        %select_n3A_569 = arith.select %gt3A_565, %add3A_568, %select_n3A_545 : vector<16xi1>, vector<16xf32>
        %gt3A_570 = arith.cmpf ogt, %get3A_564, %max3A_552 : vector<16xf32>
        %add3A_571 = arith.constant 7.200000e+02 : f32
        %add3A_572 = vector.broadcast %add3A_571 : f32 to vector<16xf32>
        %add3A_573 = arith.addf %convert_element_type3A, %add3A_572 : vector<16xf32>
        %select_n3A_574 = arith.select %gt3A_570, %add3A_573, %select_n3A_550 : vector<16xi1>, vector<16xf32>
        %max3A_575 = arith.maximumf %max3A_551, %get3A_560 : vector<16xf32>
        %max3A_576 = arith.maximumf %max3A_552, %get3A_564 : vector<16xf32>
        %exp3A_577 = math.exp %get3A_560 : vector<16xf32>
        %add3A_578 = arith.addf %add3A_554, %exp3A_577 : vector<16xf32>
        %exp3A_579 = math.exp %get3A_564 : vector<16xf32>
        %add3A_580 = arith.addf %add3A_556, %exp3A_579 : vector<16xf32>
        %get3A_581 = arith.index_cast %scan3A_32 : i32 to index
        %get3A_582 = arith.constant 736 : index
        %get3A_583 = tpu.vector_load %arg4[%get3A_581, %get3A_582] {strides = array<i32>} : memref<16x1000xf32, #tpu.memory_space<vmem>>, vector<1x16xf32>,
        %get3A_584 = vector.shape_cast %get3A_583 : vector<1x16xf32> to vector<16xf32>
        %get3A_585 = arith.index_cast %scan3A_32 : i32 to index
        %get3A_586 = arith.constant 752 : index
        %get3A_587 = tpu.vector_load %arg4[%get3A_585, %get3A_586] {strides = array<i32>} : memref<16x1000xf32, #tpu.memory_space<vmem>>, vector<1x16xf32>,
        %get3A_588 = vector.shape_cast %get3A_587 : vector<1x16xf32> to vector<16xf32>
        %gt3A_589 = arith.cmpf ogt, %get3A_584, %max3A_575 : vector<16xf32>
        %add3A_590 = arith.constant 7.360000e+02 : f32
        %add3A_591 = vector.broadcast %add3A_590 : f32 to vector<16xf32>
        %add3A_592 = arith.addf %convert_element_type3A, %add3A_591 : vector<16xf32>
        %select_n3A_593 = arith.select %gt3A_589, %add3A_592, %select_n3A_569 : vector<16xi1>, vector<16xf32>
        %gt3A_594 = arith.cmpf ogt, %get3A_588, %max3A_576 : vector<16xf32>
        %add3A_595 = arith.constant 7.520000e+02 : f32
        %add3A_596 = vector.broadcast %add3A_595 : f32 to vector<16xf32>
        %add3A_597 = arith.addf %convert_element_type3A, %add3A_596 : vector<16xf32>
        %select_n3A_598 = arith.select %gt3A_594, %add3A_597, %select_n3A_574 : vector<16xi1>, vector<16xf32>
        %max3A_599 = arith.maximumf %max3A_575, %get3A_584 : vector<16xf32>
        %max3A_600 = arith.maximumf %max3A_576, %get3A_588 : vector<16xf32>
        %exp3A_601 = math.exp %get3A_584 : vector<16xf32>
        %add3A_602 = arith.addf %add3A_578, %exp3A_601 : vector<16xf32>
        %exp3A_603 = math.exp %get3A_588 : vector<16xf32>
        %add3A_604 = arith.addf %add3A_580, %exp3A_603 : vector<16xf32>
        %get3A_605 = arith.index_cast %scan3A_32 : i32 to index
        %get3A_606 = arith.constant 768 : index
        %get3A_607 = tpu.vector_load %arg4[%get3A_605, %get3A_606] {strides = array<i32>} : memref<16x1000xf32, #tpu.memory_space<vmem>>, vector<1x16xf32>,
        %get3A_608 = vector.shape_cast %get3A_607 : vector<1x16xf32> to vector<16xf32>
        %get3A_609 = arith.index_cast %scan3A_32 : i32 to index
        %get3A_610 = arith.constant 784 : index
        %get3A_611 = tpu.vector_load %arg4[%get3A_609, %get3A_610] {strides = array<i32>} : memref<16x1000xf32, #tpu.memory_space<vmem>>, vector<1x16xf32>,
        %get3A_612 = vector.shape_cast %get3A_611 : vector<1x16xf32> to vector<16xf32>
        %gt3A_613 = arith.cmpf ogt, %get3A_608, %max3A_599 : vector<16xf32>
        %add3A_614 = arith.constant 7.680000e+02 : f32
        %add3A_615 = vector.broadcast %add3A_614 : f32 to vector<16xf32>
        %add3A_616 = arith.addf %convert_element_type3A, %add3A_615 : vector<16xf32>
        %select_n3A_617 = arith.select %gt3A_613, %add3A_616, %select_n3A_593 : vector<16xi1>, vector<16xf32>
        %gt3A_618 = arith.cmpf ogt, %get3A_612, %max3A_600 : vector<16xf32>
        %add3A_619 = arith.constant 7.840000e+02 : f32
        %add3A_620 = vector.broadcast %add3A_619 : f32 to vector<16xf32>
        %add3A_621 = arith.addf %convert_element_type3A, %add3A_620 : vector<16xf32>
        %select_n3A_622 = arith.select %gt3A_618, %add3A_621, %select_n3A_598 : vector<16xi1>, vector<16xf32>
        %max3A_623 = arith.maximumf %max3A_599, %get3A_608 : vector<16xf32>
        %max3A_624 = arith.maximumf %max3A_600, %get3A_612 : vector<16xf32>
        %exp3A_625 = math.exp %get3A_608 : vector<16xf32>
        %add3A_626 = arith.addf %add3A_602, %exp3A_625 : vector<16xf32>
        %exp3A_627 = math.exp %get3A_612 : vector<16xf32>
        %add3A_628 = arith.addf %add3A_604, %exp3A_627 : vector<16xf32>
        %get3A_629 = arith.index_cast %scan3A_32 : i32 to index
        %get3A_630 = arith.constant 800 : index
        %get3A_631 = tpu.vector_load %arg4[%get3A_629, %get3A_630] {strides = array<i32>} : memref<16x1000xf32, #tpu.memory_space<vmem>>, vector<1x16xf32>,
        %get3A_632 = vector.shape_cast %get3A_631 : vector<1x16xf32> to vector<16xf32>
        %get3A_633 = arith.index_cast %scan3A_32 : i32 to index
        %get3A_634 = arith.constant 816 : index
        %get3A_635 = tpu.vector_load %arg4[%get3A_633, %get3A_634] {strides = array<i32>} : memref<16x1000xf32, #tpu.memory_space<vmem>>, vector<1x16xf32>,
        %get3A_636 = vector.shape_cast %get3A_635 : vector<1x16xf32> to vector<16xf32>
        %gt3A_637 = arith.cmpf ogt, %get3A_632, %max3A_623 : vector<16xf32>
        %add3A_638 = arith.constant 8.000000e+02 : f32
        %add3A_639 = vector.broadcast %add3A_638 : f32 to vector<16xf32>
        %add3A_640 = arith.addf %convert_element_type3A, %add3A_639 : vector<16xf32>
        %select_n3A_641 = arith.select %gt3A_637, %add3A_640, %select_n3A_617 : vector<16xi1>, vector<16xf32>
        %gt3A_642 = arith.cmpf ogt, %get3A_636, %max3A_624 : vector<16xf32>
        %add3A_643 = arith.constant 8.160000e+02 : f32
        %add3A_644 = vector.broadcast %add3A_643 : f32 to vector<16xf32>
        %add3A_645 = arith.addf %convert_element_type3A, %add3A_644 : vector<16xf32>
        %select_n3A_646 = arith.select %gt3A_642, %add3A_645, %select_n3A_622 : vector<16xi1>, vector<16xf32>
        %max3A_647 = arith.maximumf %max3A_623, %get3A_632 : vector<16xf32>
        %max3A_648 = arith.maximumf %max3A_624, %get3A_636 : vector<16xf32>
        %exp3A_649 = math.exp %get3A_632 : vector<16xf32>
        %add3A_650 = arith.addf %add3A_626, %exp3A_649 : vector<16xf32>
        %exp3A_651 = math.exp %get3A_636 : vector<16xf32>
        %add3A_652 = arith.addf %add3A_628, %exp3A_651 : vector<16xf32>
        %get3A_653 = arith.index_cast %scan3A_32 : i32 to index
        %get3A_654 = arith.constant 832 : index
        %get3A_655 = tpu.vector_load %arg4[%get3A_653, %get3A_654] {strides = array<i32>} : memref<16x1000xf32, #tpu.memory_space<vmem>>, vector<1x16xf32>,
        %get3A_656 = vector.shape_cast %get3A_655 : vector<1x16xf32> to vector<16xf32>
        %get3A_657 = arith.index_cast %scan3A_32 : i32 to index
        %get3A_658 = arith.constant 848 : index
        %get3A_659 = tpu.vector_load %arg4[%get3A_657, %get3A_658] {strides = array<i32>} : memref<16x1000xf32, #tpu.memory_space<vmem>>, vector<1x16xf32>,
        %get3A_660 = vector.shape_cast %get3A_659 : vector<1x16xf32> to vector<16xf32>
        %gt3A_661 = arith.cmpf ogt, %get3A_656, %max3A_647 : vector<16xf32>
        %add3A_662 = arith.constant 8.320000e+02 : f32
        %add3A_663 = vector.broadcast %add3A_662 : f32 to vector<16xf32>
        %add3A_664 = arith.addf %convert_element_type3A, %add3A_663 : vector<16xf32>
        %select_n3A_665 = arith.select %gt3A_661, %add3A_664, %select_n3A_641 : vector<16xi1>, vector<16xf32>
        %gt3A_666 = arith.cmpf ogt, %get3A_660, %max3A_648 : vector<16xf32>
        %add3A_667 = arith.constant 8.480000e+02 : f32
        %add3A_668 = vector.broadcast %add3A_667 : f32 to vector<16xf32>
        %add3A_669 = arith.addf %convert_element_type3A, %add3A_668 : vector<16xf32>
        %select_n3A_670 = arith.select %gt3A_666, %add3A_669, %select_n3A_646 : vector<16xi1>, vector<16xf32>
        %max3A_671 = arith.maximumf %max3A_647, %get3A_656 : vector<16xf32>
        %max3A_672 = arith.maximumf %max3A_648, %get3A_660 : vector<16xf32>
        %exp3A_673 = math.exp %get3A_656 : vector<16xf32>
        %add3A_674 = arith.addf %add3A_650, %exp3A_673 : vector<16xf32>
        %exp3A_675 = math.exp %get3A_660 : vector<16xf32>
        %add3A_676 = arith.addf %add3A_652, %exp3A_675 : vector<16xf32>
        %get3A_677 = arith.index_cast %scan3A_32 : i32 to index
        %get3A_678 = arith.constant 864 : index
        %get3A_679 = tpu.vector_load %arg4[%get3A_677, %get3A_678] {strides = array<i32>} : memref<16x1000xf32, #tpu.memory_space<vmem>>, vector<1x16xf32>,
        %get3A_680 = vector.shape_cast %get3A_679 : vector<1x16xf32> to vector<16xf32>
        %get3A_681 = arith.index_cast %scan3A_32 : i32 to index
        %get3A_682 = arith.constant 880 : index
        %get3A_683 = tpu.vector_load %arg4[%get3A_681, %get3A_682] {strides = array<i32>} : memref<16x1000xf32, #tpu.memory_space<vmem>>, vector<1x16xf32>,
        %get3A_684 = vector.shape_cast %get3A_683 : vector<1x16xf32> to vector<16xf32>
        %gt3A_685 = arith.cmpf ogt, %get3A_680, %max3A_671 : vector<16xf32>
        %add3A_686 = arith.constant 8.640000e+02 : f32
        %add3A_687 = vector.broadcast %add3A_686 : f32 to vector<16xf32>
        %add3A_688 = arith.addf %convert_element_type3A, %add3A_687 : vector<16xf32>
        %select_n3A_689 = arith.select %gt3A_685, %add3A_688, %select_n3A_665 : vector<16xi1>, vector<16xf32>
        %gt3A_690 = arith.cmpf ogt, %get3A_684, %max3A_672 : vector<16xf32>
        %add3A_691 = arith.constant 8.800000e+02 : f32
        %add3A_692 = vector.broadcast %add3A_691 : f32 to vector<16xf32>
        %add3A_693 = arith.addf %convert_element_type3A, %add3A_692 : vector<16xf32>
        %select_n3A_694 = arith.select %gt3A_690, %add3A_693, %select_n3A_670 : vector<16xi1>, vector<16xf32>
        %max3A_695 = arith.maximumf %max3A_671, %get3A_680 : vector<16xf32>
        %max3A_696 = arith.maximumf %max3A_672, %get3A_684 : vector<16xf32>
        %exp3A_697 = math.exp %get3A_680 : vector<16xf32>
        %add3A_698 = arith.addf %add3A_674, %exp3A_697 : vector<16xf32>
        %exp3A_699 = math.exp %get3A_684 : vector<16xf32>
        %add3A_700 = arith.addf %add3A_676, %exp3A_699 : vector<16xf32>
        %get3A_701 = arith.index_cast %scan3A_32 : i32 to index
        %get3A_702 = arith.constant 896 : index
        %get3A_703 = tpu.vector_load %arg4[%get3A_701, %get3A_702] {strides = array<i32>} : memref<16x1000xf32, #tpu.memory_space<vmem>>, vector<1x16xf32>,
        %get3A_704 = vector.shape_cast %get3A_703 : vector<1x16xf32> to vector<16xf32>
        %get3A_705 = arith.index_cast %scan3A_32 : i32 to index
        %get3A_706 = arith.constant 912 : index
        %get3A_707 = tpu.vector_load %arg4[%get3A_705, %get3A_706] {strides = array<i32>} : memref<16x1000xf32, #tpu.memory_space<vmem>>, vector<1x16xf32>,
        %get3A_708 = vector.shape_cast %get3A_707 : vector<1x16xf32> to vector<16xf32>
        %gt3A_709 = arith.cmpf ogt, %get3A_704, %max3A_695 : vector<16xf32>
        %add3A_710 = arith.constant 8.960000e+02 : f32
        %add3A_711 = vector.broadcast %add3A_710 : f32 to vector<16xf32>
        %add3A_712 = arith.addf %convert_element_type3A, %add3A_711 : vector<16xf32>
        %select_n3A_713 = arith.select %gt3A_709, %add3A_712, %select_n3A_689 : vector<16xi1>, vector<16xf32>
        %gt3A_714 = arith.cmpf ogt, %get3A_708, %max3A_696 : vector<16xf32>
        %add3A_715 = arith.constant 9.120000e+02 : f32
        %add3A_716 = vector.broadcast %add3A_715 : f32 to vector<16xf32>
        %add3A_717 = arith.addf %convert_element_type3A, %add3A_716 : vector<16xf32>
        %select_n3A_718 = arith.select %gt3A_714, %add3A_717, %select_n3A_694 : vector<16xi1>, vector<16xf32>
        %max3A_719 = arith.maximumf %max3A_695, %get3A_704 : vector<16xf32>
        %max3A_720 = arith.maximumf %max3A_696, %get3A_708 : vector<16xf32>
        %exp3A_721 = math.exp %get3A_704 : vector<16xf32>
        %add3A_722 = arith.addf %add3A_698, %exp3A_721 : vector<16xf32>
        %exp3A_723 = math.exp %get3A_708 : vector<16xf32>
        %add3A_724 = arith.addf %add3A_700, %exp3A_723 : vector<16xf32>
        %get3A_725 = arith.index_cast %scan3A_32 : i32 to index
        %get3A_726 = arith.constant 928 : index
        %get3A_727 = tpu.vector_load %arg4[%get3A_725, %get3A_726] {strides = array<i32>} : memref<16x1000xf32, #tpu.memory_space<vmem>>, vector<1x16xf32>,
        %get3A_728 = vector.shape_cast %get3A_727 : vector<1x16xf32> to vector<16xf32>
        %get3A_729 = arith.index_cast %scan3A_32 : i32 to index
        %get3A_730 = arith.constant 944 : index
        %get3A_731 = tpu.vector_load %arg4[%get3A_729, %get3A_730] {strides = array<i32>} : memref<16x1000xf32, #tpu.memory_space<vmem>>, vector<1x16xf32>,
        %get3A_732 = vector.shape_cast %get3A_731 : vector<1x16xf32> to vector<16xf32>
        %gt3A_733 = arith.cmpf ogt, %get3A_728, %max3A_719 : vector<16xf32>
        %add3A_734 = arith.constant 9.280000e+02 : f32
        %add3A_735 = vector.broadcast %add3A_734 : f32 to vector<16xf32>
        %add3A_736 = arith.addf %convert_element_type3A, %add3A_735 : vector<16xf32>
        %select_n3A_737 = arith.select %gt3A_733, %add3A_736, %select_n3A_713 : vector<16xi1>, vector<16xf32>
        %gt3A_738 = arith.cmpf ogt, %get3A_732, %max3A_720 : vector<16xf32>
        %add3A_739 = arith.constant 9.440000e+02 : f32
        %add3A_740 = vector.broadcast %add3A_739 : f32 to vector<16xf32>
        %add3A_741 = arith.addf %convert_element_type3A, %add3A_740 : vector<16xf32>
        %select_n3A_742 = arith.select %gt3A_738, %add3A_741, %select_n3A_718 : vector<16xi1>, vector<16xf32>
        %max3A_743 = arith.maximumf %max3A_719, %get3A_728 : vector<16xf32>
        %max3A_744 = arith.maximumf %max3A_720, %get3A_732 : vector<16xf32>
        %exp3A_745 = math.exp %get3A_728 : vector<16xf32>
        %add3A_746 = arith.addf %add3A_722, %exp3A_745 : vector<16xf32>
        %exp3A_747 = math.exp %get3A_732 : vector<16xf32>
        %add3A_748 = arith.addf %add3A_724, %exp3A_747 : vector<16xf32>
        %get3A_749 = arith.index_cast %scan3A_32 : i32 to index
        %get3A_750 = arith.constant 960 : index
        %get3A_751 = tpu.vector_load %arg4[%get3A_749, %get3A_750] {strides = array<i32>} : memref<16x1000xf32, #tpu.memory_space<vmem>>, vector<1x16xf32>,
        %get3A_752 = vector.shape_cast %get3A_751 : vector<1x16xf32> to vector<16xf32>
        %get3A_753 = arith.index_cast %scan3A_32 : i32 to index
        %get3A_754 = arith.constant 976 : index
        %get3A_755 = tpu.vector_load %arg4[%get3A_753, %get3A_754] {strides = array<i32>} : memref<16x1000xf32, #tpu.memory_space<vmem>>, vector<1x16xf32>,
        %get3A_756 = vector.shape_cast %get3A_755 : vector<1x16xf32> to vector<16xf32>
        %gt3A_757 = arith.cmpf ogt, %get3A_752, %max3A_743 : vector<16xf32>
        %add3A_758 = arith.constant 9.600000e+02 : f32
        %add3A_759 = vector.broadcast %add3A_758 : f32 to vector<16xf32>
        %add3A_760 = arith.addf %convert_element_type3A, %add3A_759 : vector<16xf32>
        %select_n3A_761 = arith.select %gt3A_757, %add3A_760, %select_n3A_737 : vector<16xi1>, vector<16xf32>
        %gt3A_762 = arith.cmpf ogt, %get3A_756, %max3A_744 : vector<16xf32>
        %add3A_763 = arith.constant 9.760000e+02 : f32
        %add3A_764 = vector.broadcast %add3A_763 : f32 to vector<16xf32>
        %add3A_765 = arith.addf %convert_element_type3A, %add3A_764 : vector<16xf32>
        %select_n3A_766 = arith.select %gt3A_762, %add3A_765, %select_n3A_742 : vector<16xi1>, vector<16xf32>
        %max3A_767 = arith.maximumf %max3A_743, %get3A_752 : vector<16xf32>
        %max3A_768 = arith.maximumf %max3A_744, %get3A_756 : vector<16xf32>
        %exp3A_769 = math.exp %get3A_752 : vector<16xf32>
        %add3A_770 = arith.addf %add3A_746, %exp3A_769 : vector<16xf32>
        %exp3A_771 = math.exp %get3A_756 : vector<16xf32>
        %add3A_772 = arith.addf %add3A_748, %exp3A_771 : vector<16xf32>
        %get3A_773 = arith.index_cast %scan3A_32 : i32 to index
        %get3A_774 = arith.constant 984 : index
        %get3A_775 = tpu.vector_load %arg4[%get3A_773, %get3A_774] {strides = array<i32>} : memref<16x1000xf32, #tpu.memory_space<vmem>>, vector<1x16xf32>,
        %get3A_776 = vector.shape_cast %get3A_775 : vector<1x16xf32> to vector<16xf32>
        %gt3A_777 = arith.cmpf ogt, %get3A_776, %max3A_767 : vector<16xf32>
        %add3A_778 = arith.constant 9.840000e+02 : f32
        %add3A_779 = vector.broadcast %add3A_778 : f32 to vector<16xf32>
        %add3A_780 = arith.addf %convert_element_type3A, %add3A_779 : vector<16xf32>
        %select_n3A_781 = arith.select %gt3A_777, %add3A_780, %select_n3A_761 : vector<16xi1>, vector<16xf32>
        %max3A_782 = arith.maximumf %max3A_767, %get3A_776 : vector<16xf32>
        %ge3A = arith.constant 8 : i32
        %ge3A_783 = vector.broadcast %ge3A : i32 to vector<16xi32>
        %ge3A_784 = arith.cmpi sge, %iota3A, %ge3A_783 : vector<16xi32>
        %exp3A_785 = math.exp %get3A_776 : vector<16xf32>
        %jit3A = arith.constant 0.000000e+00 : f32
        %broadcast_in_dim3A_786 = vector.broadcast %jit3A : f32 to vector<16xf32>
        %select_n3A_787 = arith.select %ge3A_784, %exp3A_785, %broadcast_in_dim3A_786 : vector<16xi1>, vector<16xf32>
        %add3A_788 = arith.addf %add3A_770, %select_n3A_787 : vector<16xf32>
        %max3A_789 = arith.maximumf %max3A_782, %max3A_768 : vector<16xf32>
        %eq3A = arith.cmpf oeq, %max3A_782, %max3A_789 : vector<16xf32>
        %jit3A_790 = arith.constant 1.000000e+09 : f32
        %broadcast_in_dim3A_791 = vector.broadcast %jit3A_790 : f32 to vector<16xf32>
        %select_n3A_792 = arith.select %eq3A, %select_n3A_781, %broadcast_in_dim3A_791 : vector<16xi1>, vector<16xf32>
        %eq3A_793 = arith.cmpf oeq, %max3A_768, %max3A_789 : vector<16xf32>
        %jit3A_794 = arith.constant 1.000000e+09 : f32
        %broadcast_in_dim3A_795 = vector.broadcast %jit3A_794 : f32 to vector<16xf32>
        %select_n3A_796 = arith.select %eq3A_793, %select_n3A_766, %broadcast_in_dim3A_795 : vector<16xi1>, vector<16xf32>
        %swap3A = arith.index_cast %scan3A_32 : i32 to index
        %swap3A_797 = arith.constant 0 : index
        %swap3A_798 = tpu.vector_load %arg5[%swap3A, %swap3A_797] {strides = array<i32>} : memref<16x48xf32, #tpu.memory_space<vmem>>, vector<1x16xf32>,
        %swap3A_799 = vector.shape_cast %swap3A_798 : vector<1x16xf32> to vector<16xf32>
        %swap3A_800 = vector.shape_cast %max3A_789 : vector<16xf32> to vector<1x16xf32>
        tpu.vector_store %arg5[%swap3A, %swap3A_797], %swap3A_800 {strides = array<i32>} : memref<16x48xf32, #tpu.memory_space<vmem>>, vector<1x16xf32>,
        %add3A_801 = arith.addf %add3A_788, %add3A_772 : vector<16xf32>
        %swap3A_802 = arith.index_cast %scan3A_32 : i32 to index
        %swap3A_803 = arith.constant 16 : index
        %swap3A_804 = tpu.vector_load %arg5[%swap3A_802, %swap3A_803] {strides = array<i32>} : memref<16x48xf32, #tpu.memory_space<vmem>>, vector<1x16xf32>,
        %swap3A_805 = vector.shape_cast %swap3A_804 : vector<1x16xf32> to vector<16xf32>
        %swap3A_806 = vector.shape_cast %add3A_801 : vector<16xf32> to vector<1x16xf32>
        tpu.vector_store %arg5[%swap3A_802, %swap3A_803], %swap3A_806 {strides = array<i32>} : memref<16x48xf32, #tpu.memory_space<vmem>>, vector<1x16xf32>,
        %min3A = arith.minimumf %select_n3A_792, %select_n3A_796 : vector<16xf32>
        %swap3A_807 = arith.index_cast %scan3A_32 : i32 to index
        %swap3A_808 = arith.constant 32 : index
        %swap3A_809 = tpu.vector_load %arg5[%swap3A_807, %swap3A_808] {strides = array<i32>} : memref<16x48xf32, #tpu.memory_space<vmem>>, vector<1x16xf32>,
        %swap3A_810 = vector.shape_cast %swap3A_809 : vector<1x16xf32> to vector<16xf32>
        %swap3A_811 = vector.shape_cast %min3A : vector<16xf32> to vector<1x16xf32>
        tpu.vector_store %arg5[%swap3A_807, %swap3A_808], %swap3A_811 {strides = array<i32>} : memref<16x48xf32, #tpu.memory_space<vmem>>, vector<1x16xf32>,
        %scan3A_812 = arith.constant 0 : i32
        scf.yield %scan3A_812 : i32
      }
      %scan3A_27 = arith.constant 16 : i32
      %mul3A_28 = arith.constant 16 : i32
      %mul3A_29 = arith.muli %scan3A_16, %mul3A_28 : i32
      %add3A_30 = arith.addi %mul3A_6, %mul3A_29 : i32
      "tpu.region"() ({
        %run_scoped3A = tpu.sem_alloc : memref<!tpu.dma_semaphore, #tpu.memory_space<semaphore_mem>>
        %dma_start3A = arith.constant 0 : i32
        %dma_start3A_32 = tpu.memref_slice %arg3[%add3A_30, %dma_start3A] : memref<4096x48xf32, #tpu.memory_space<hbm>> -> memref<16x48xf32, #tpu.memory_space<hbm>>
        %dma_start3A_33 = arith.constant 0 : i32
        %dma_start3A_34 = tpu.memref_slice %arg3[%add3A_30, %dma_start3A_33] : memref<4096x48xf32, #tpu.memory_space<hbm>> -> memref<16x48xf32, #tpu.memory_space<hbm>>
        tpu.enqueue_dma source(%arg5 : memref<16x48xf32, #tpu.memory_space<vmem>>) target(%dma_start3A_34 : memref<16x48xf32, #tpu.memory_space<hbm>>) target_semaphore(%run_scoped3A : memref<!tpu.dma_semaphore, #tpu.memory_space<semaphore_mem>>)
        %dma_wait3A = arith.constant 0 : i32
        %dma_wait3A_35 = tpu.memref_slice %arg3[%add3A_30, %dma_wait3A] : memref<4096x48xf32, #tpu.memory_space<hbm>> -> memref<16x48xf32, #tpu.memory_space<hbm>>
        %dma_wait3A_36 = arith.constant 0 : i32
        %dma_wait3A_37 = tpu.memref_slice %arg3[%add3A_30, %dma_wait3A_36] : memref<4096x48xf32, #tpu.memory_space<hbm>> -> memref<16x48xf32, #tpu.memory_space<hbm>>
        tpu.wait_dma2 semaphore(%run_scoped3A : memref<!tpu.dma_semaphore, #tpu.memory_space<semaphore_mem>>) src(%arg5 : memref<16x48xf32, #tpu.memory_space<vmem>>) dst(%dma_wait3A_37 : memref<16x48xf32, #tpu.memory_space<hbm>>)
        tpu.yield
      }) : () -> ()
      %scan3A_31 = arith.constant 0 : i32
      scf.yield %scan3A_31 : i32
    }
    %scan3A_15 = arith.constant 8 : i32
    return
  }
}

module attributes {stable_mosaic.version = 14 : i64} {
  func.func @_tc_kernel(%arg0: i32, %arg1: memref<2048x1000xf32, #tpu.memory_space<vmem>>, %arg2: memref<1x1x2048xi32, #tpu.memory_space<vmem>>, %arg3: memref<3x16xf32, #tpu.memory_space<vmem>>, %arg4: memref<3x16xf32, #tpu.memory_space<vmem>>) attributes {dimension_semantics = [#tpu.dimension_semantics<arbitrary>], iteration_bounds = array<i64: 6>, scalar_prefetch = 0 : i64, scratch_operands = 1 : i64, tpu.core_type = #tpu.core_type<tc>, window_params = [{transform_indices = @transform_0, window_bounds = array<i64: 2048, 1000>}, {transform_indices = @transform_1, window_bounds = array<i64: 1, 1, 2048>}, {pipeline_mode = #tpu.pipeline_mode<synchronous>, transform_indices = @transform_2, window_bounds = array<i64: 3, 16>}]} {
    %get3A = arith.constant 0 : index
    %get3A_0 = arith.constant 0 : index
    %get3A_1 = vector.load %arg1[%get3A, %get3A_0] : memref<2048x1000xf32, #tpu.memory_space<vmem>>, vector<2048x1000xf32>
    %reduce_max3A = arith.constant dense<0xFF800000> : vector<2048xf32>
    %reduce_max3A_2 = vector.multi_reduction <maximumf>, %get3A_1, %reduce_max3A [1] : vector<2048x1000xf32> to vector<2048xf32>
    %broadcast_in_dim3A = vector.shape_cast %reduce_max3A_2 : vector<2048xf32> to vector<2048x1xf32>
    %sub3A = vector.broadcast %broadcast_in_dim3A : vector<2048x1xf32> to vector<2048x1000xf32>
    %sub3A_3 = arith.subf %get3A_1, %sub3A : vector<2048x1000xf32>
    %exp3A = math.exp %sub3A_3 : vector<2048x1000xf32>
    %reduce_sum3A = arith.constant dense<0.000000e+00> : vector<2048xf32>
    %reduce_sum3A_4 = vector.multi_reduction <add>, %exp3A, %reduce_sum3A [1] : vector<2048x1000xf32> to vector<2048xf32>
    %broadcast_in_dim3A_5 = vector.shape_cast %reduce_sum3A_4 : vector<2048xf32> to vector<2048x1xf32>
    %div3A = arith.constant 1.000000e+00 : f32
    %div3A_6 = vector.broadcast %div3A : f32 to vector<2048x1xf32>
    %div3A_7 = arith.divf %div3A_6, %broadcast_in_dim3A_5 : vector<2048x1xf32>
    %get3A_8 = arith.constant 0 : index
    %get3A_9 = arith.constant 0 : index
    %get3A_10 = arith.constant 0 : index
    %get3A_11 = vector.load %arg2[%get3A_8, %get3A_9, %get3A_10] : memref<1x1x2048xi32, #tpu.memory_space<vmem>>, vector<1x1x2048xi32>
    %get3A_12 = vector.shape_cast %get3A_11 : vector<1x1x2048xi32> to vector<2048xi32>
    %reshape3A = vector.shape_cast %get3A_12 : vector<2048xi32> to vector<2048x1xi32>
    %iota3A = tpu.iota {dimensions = array<i32: 1>} : vector<2048x1000xi32>
    %eq3A = vector.broadcast %reshape3A : vector<2048x1xi32> to vector<2048x1000xi32>
    %eq3A_13 = arith.cmpi eq, %iota3A, %eq3A : vector<2048x1000xi32>
    %jit3A = arith.constant 0xFF800000 : f32
    %broadcast_in_dim3A_14 = vector.broadcast %jit3A : f32 to vector<2048x1000xf32>
    %select_n3A = arith.select %eq3A_13, %get3A_1, %broadcast_in_dim3A_14 : vector<2048x1000xi1>, vector<2048x1000xf32>
    %reduce_max3A_15 = arith.constant dense<0xFF800000> : vector<2048xf32>
    %reduce_max3A_16 = vector.multi_reduction <maximumf>, %select_n3A, %reduce_max3A_15 [1] : vector<2048x1000xf32> to vector<2048xf32>
    %broadcast_in_dim3A_17 = vector.shape_cast %reduce_max3A_16 : vector<2048xf32> to vector<2048x1xf32>
    %eq3A_18 = arith.cmpf oeq, %broadcast_in_dim3A_17, %broadcast_in_dim3A : vector<2048x1xf32>
    %convert_element_type3A = arith.extui %eq3A_18 : vector<2048x1xi1> to vector<2048x1xi32>
    %convert_element_type3A_19 = arith.sitofp %convert_element_type3A : vector<2048x1xi32> to vector<2048x1xf32>
    %iota3A_20 = tpu.iota {dimensions = array<i32: 1>} : vector<1x16xi32>
    %convert_element_type3A_21 = arith.sitofp %iota3A_20 : vector<1x16xi32> to vector<1x16xf32>
    %lt3A = arith.constant 15 : i32
    %lt3A_22 = vector.broadcast %lt3A : i32 to vector<1x16xi32>
    %lt3A_23 = arith.cmpi slt, %iota3A_20, %lt3A_22 : vector<1x16xi32>
    %mul3A = arith.constant 0.0666666701 : f32
    %mul3A_24 = vector.broadcast %mul3A : f32 to vector<1x16xf32>
    %mul3A_25 = arith.mulf %convert_element_type3A_21, %mul3A_24 : vector<1x16xf32>
    %jit3A_26 = arith.constant 2.000000e+00 : f32
    %broadcast_in_dim3A_27 = vector.broadcast %jit3A_26 : f32 to vector<1x16xf32>
    %select_n3A_28 = arith.select %lt3A_23, %mul3A_25, %broadcast_in_dim3A_27 : vector<1x16xi1>, vector<1x16xf32>
    %eq3A_29 = arith.constant 14 : i32
    %eq3A_30 = vector.broadcast %eq3A_29 : i32 to vector<1x16xi32>
    %eq3A_31 = arith.cmpi eq, %iota3A_20, %eq3A_30 : vector<1x16xi32>
    %add3A = arith.constant 1.000000e+00 : f32
    %add3A_32 = vector.broadcast %add3A : f32 to vector<1x16xf32>
    %add3A_33 = arith.addf %convert_element_type3A_21, %add3A_32 : vector<1x16xf32>
    %mul3A_34 = arith.constant 0.0666666701 : f32
    %mul3A_35 = vector.broadcast %mul3A_34 : f32 to vector<1x16xf32>
    %mul3A_36 = arith.mulf %add3A_33, %mul3A_35 : vector<1x16xf32>
    %jit3A_37 = arith.constant 1.000000e+00 : f32
    %broadcast_in_dim3A_38 = vector.broadcast %jit3A_37 : f32 to vector<1x16xf32>
    %select_n3A_39 = arith.select %eq3A_31, %broadcast_in_dim3A_38, %mul3A_36 : vector<1x16xi1>, vector<1x16xf32>
    %gt3A = vector.broadcast %div3A_7 : vector<2048x1xf32> to vector<2048x16xf32>
    %gt3A_40 = vector.broadcast %select_n3A_28 : vector<1x16xf32> to vector<2048x16xf32>
    %gt3A_41 = arith.cmpf ogt, %gt3A, %gt3A_40 : vector<2048x16xf32>
    %le3A = vector.broadcast %div3A_7 : vector<2048x1xf32> to vector<2048x16xf32>
    %le3A_42 = vector.broadcast %select_n3A_39 : vector<1x16xf32> to vector<2048x16xf32>
    %le3A_43 = arith.cmpf ole, %le3A, %le3A_42 : vector<2048x16xf32>
    %and3A = arith.andi %gt3A_41, %le3A_43 : vector<2048x16xi1>
    %convert_element_type3A_44 = arith.extui %and3A : vector<2048x16xi1> to vector<2048x16xi32>
    %convert_element_type3A_45 = arith.sitofp %convert_element_type3A_44 : vector<2048x16xi32> to vector<2048x16xf32>
    %reduce_sum3A_46 = arith.constant dense<0.000000e+00> : vector<16xf32>
    %reduce_sum3A_47 = vector.multi_reduction <add>, %convert_element_type3A_45, %reduce_sum3A_46 [0] : vector<2048x16xf32> to vector<16xf32>
    %broadcast_in_dim3A_48 = vector.shape_cast %reduce_sum3A_47 : vector<16xf32> to vector<1x16xf32>
    %mul3A_49 = vector.broadcast %convert_element_type3A_19 : vector<2048x1xf32> to vector<2048x16xf32>
    %mul3A_50 = arith.mulf %mul3A_49, %convert_element_type3A_45 : vector<2048x16xf32>
    %reduce_sum3A_51 = arith.constant dense<0.000000e+00> : vector<16xf32>
    %reduce_sum3A_52 = vector.multi_reduction <add>, %mul3A_50, %reduce_sum3A_51 [0] : vector<2048x16xf32> to vector<16xf32>
    %broadcast_in_dim3A_53 = vector.shape_cast %reduce_sum3A_52 : vector<16xf32> to vector<1x16xf32>
    %mul3A_54 = vector.broadcast %div3A_7 : vector<2048x1xf32> to vector<2048x16xf32>
    %mul3A_55 = arith.mulf %mul3A_54, %convert_element_type3A_45 : vector<2048x16xf32>
    %reduce_sum3A_56 = arith.constant dense<0.000000e+00> : vector<16xf32>
    %reduce_sum3A_57 = vector.multi_reduction <add>, %mul3A_55, %reduce_sum3A_56 [0] : vector<2048x16xf32> to vector<16xf32>
    %broadcast_in_dim3A_58 = vector.shape_cast %reduce_sum3A_57 : vector<16xf32> to vector<1x16xf32>
    %concatenate3A = tpu.concatenate %broadcast_in_dim3A_48, %broadcast_in_dim3A_53, %broadcast_in_dim3A_58 in 0 : vector<1x16xf32>, vector<1x16xf32>, vector<1x16xf32> -> vector<3x16xf32>
    %eq3A_59 = arith.constant 0 : i32
    %eq3A_60 = arith.cmpi eq, %arg0, %eq3A_59 : i32
    %convert_element_type3A_61 = arith.extui %eq3A_60 : i1 to i32
    %cond3A = arith.constant 0 : i32
    %cond3A_62 = arith.cmpi ne, %convert_element_type3A_61, %cond3A : i32
    scf.if %cond3A_62 {
      %swap3A = arith.constant 0 : index
      %swap3A_72 = arith.constant 0 : index
      %swap3A_73 = vector.load %arg4[%swap3A, %swap3A_72] : memref<3x16xf32, #tpu.memory_space<vmem>>, vector<3x16xf32>
      tpu.vector_store %arg4[%swap3A, %swap3A_72], %concatenate3A {strides = array<i32>} : memref<3x16xf32, #tpu.memory_space<vmem>>, vector<3x16xf32>,
    } else {
    }
    %ne3A = arith.constant 0 : i32
    %ne3A_63 = arith.cmpi ne, %arg0, %ne3A : i32
    %convert_element_type3A_64 = arith.extui %ne3A_63 : i1 to i32
    %cond3A_65 = arith.constant 0 : i32
    %cond3A_66 = arith.cmpi ne, %convert_element_type3A_64, %cond3A_65 : i32
    scf.if %cond3A_66 {
      %get3A_72 = arith.constant 0 : index
      %get3A_73 = arith.constant 0 : index
      %get3A_74 = vector.load %arg4[%get3A_72, %get3A_73] : memref<3x16xf32, #tpu.memory_space<vmem>>, vector<3x16xf32>
      %add3A_75 = arith.addf %get3A_74, %concatenate3A : vector<3x16xf32>
      %swap3A = arith.constant 0 : index
      %swap3A_76 = arith.constant 0 : index
      %swap3A_77 = vector.load %arg4[%swap3A, %swap3A_76] : memref<3x16xf32, #tpu.memory_space<vmem>>, vector<3x16xf32>
      tpu.vector_store %arg4[%swap3A, %swap3A_76], %add3A_75 {strides = array<i32>} : memref<3x16xf32, #tpu.memory_space<vmem>>, vector<3x16xf32>,
    } else {
    }
    %eq3A_67 = arith.constant 5 : i32
    %eq3A_68 = arith.cmpi eq, %arg0, %eq3A_67 : i32
    %convert_element_type3A_69 = arith.extui %eq3A_68 : i1 to i32
    %cond3A_70 = arith.constant 0 : i32
    %cond3A_71 = arith.cmpi ne, %convert_element_type3A_69, %cond3A_70 : i32
    scf.if %cond3A_71 {
      %get3A_72 = arith.constant 0 : index
      %get3A_73 = arith.constant 0 : index
      %get3A_74 = vector.load %arg4[%get3A_72, %get3A_73] : memref<3x16xf32, #tpu.memory_space<vmem>>, vector<3x16xf32>
      %swap3A = arith.constant 0 : index
      %swap3A_75 = arith.constant 0 : index
      %swap3A_76 = vector.load %arg3[%swap3A, %swap3A_75] : memref<3x16xf32, #tpu.memory_space<vmem>>, vector<3x16xf32>
      tpu.vector_store %arg3[%swap3A, %swap3A_75], %get3A_74 {strides = array<i32>} : memref<3x16xf32, #tpu.memory_space<vmem>>, vector<3x16xf32>,
    } else {
    }
    return
  }
  func.func @transform_0(%arg0: i32) -> (i32, i32) {
    %c0_i32 = arith.constant 0 : i32
    %c0_i32_0 = arith.constant 0 : i32
    return %arg0, %c0_i32 : i32, i32
  }
  func.func @transform_1(%arg0: i32) -> (i32, i32, i32) {
    %c0_i32 = arith.constant 0 : i32
    %c0_i32_0 = arith.constant 0 : i32
    %c0_i32_1 = arith.constant 0 : i32
    return %arg0, %c0_i32, %c0_i32_0 : i32, i32, i32
  }
  func.func @transform_2(%arg0: i32) -> (i32, i32) {
    %c0_i32 = arith.constant 0 : i32
    %c0_i32_0 = arith.constant 0 : i32
    %c0_i32_1 = arith.constant 0 : i32
    return %c0_i32, %c0_i32_0 : i32, i32
  }
}

module attributes {stable_mosaic.version = 14 : i64} {
  func.func @_combine_kernel(%arg0: memref<3x16xf32, #tpu.memory_space<vmem>>, %arg1: memref<4096x48xf32, #tpu.memory_space<vmem>>, %arg2: memref<4096x1xi32, #tpu.memory_space<vmem>>, %arg3: memref<1x1xf32, #tpu.memory_space<vmem>>, %arg4: memref<1x15xf32, #tpu.memory_space<vmem>>, %arg5: memref<1x15xf32, #tpu.memory_space<vmem>>) attributes {dimension_semantics = [], scalar_prefetch = 0 : i64, scratch_operands = 0 : i64, tpu.core_type = #tpu.core_type<tc>} {
    %get3A = arith.constant 0 : index
    %get3A_0 = arith.constant 0 : index
    %get3A_1 = vector.load %arg1[%get3A, %get3A_0] : memref<4096x48xf32, #tpu.memory_space<vmem>>, vector<4096x48xf32>
    %slice3A = vector.extract_strided_slice %get3A_1 {offsets = [0, 0], sizes = [4096, 16], strides = [1, 1]} : vector<4096x48xf32> to vector<4096x16xf32>
    %reduce_max3A = arith.constant dense<0xFF800000> : vector<4096xf32>
    %reduce_max3A_2 = vector.multi_reduction <maximumf>, %slice3A, %reduce_max3A [1] : vector<4096x16xf32> to vector<4096xf32>
    %broadcast_in_dim3A = vector.shape_cast %reduce_max3A_2 : vector<4096xf32> to vector<4096x1xf32>
    %slice3A_3 = vector.extract_strided_slice %get3A_1 {offsets = [0, 16], sizes = [4096, 16], strides = [1, 1]} : vector<4096x48xf32> to vector<4096x16xf32>
    %reduce_sum3A = arith.constant dense<0.000000e+00> : vector<4096xf32>
    %reduce_sum3A_4 = vector.multi_reduction <add>, %slice3A_3, %reduce_sum3A [1] : vector<4096x16xf32> to vector<4096xf32>
    %broadcast_in_dim3A_5 = vector.shape_cast %reduce_sum3A_4 : vector<4096xf32> to vector<4096x1xf32>
    %exp3A = math.exp %broadcast_in_dim3A : vector<4096x1xf32>
    %div3A = arith.divf %exp3A, %broadcast_in_dim3A_5 : vector<4096x1xf32>
    %slice3A_6 = vector.extract_strided_slice %get3A_1 {offsets = [0, 32], sizes = [4096, 16], strides = [1, 1]} : vector<4096x48xf32> to vector<4096x16xf32>
    %eq3A = vector.broadcast %broadcast_in_dim3A : vector<4096x1xf32> to vector<4096x16xf32>
    %eq3A_7 = arith.cmpf oeq, %slice3A, %eq3A : vector<4096x16xf32>
    %jit3A = arith.constant 1.000000e+09 : f32
    %broadcast_in_dim3A_8 = vector.broadcast %jit3A : f32 to vector<4096x16xf32>
    %select_n3A = arith.select %eq3A_7, %slice3A_6, %broadcast_in_dim3A_8 : vector<4096x16xi1>, vector<4096x16xf32>
    %reduce_min3A = arith.constant dense<0x7F800000> : vector<4096xf32>
    %reduce_min3A_9 = vector.multi_reduction <minimumf>, %select_n3A, %reduce_min3A [1] : vector<4096x16xf32> to vector<4096xf32>
    %broadcast_in_dim3A_10 = vector.shape_cast %reduce_min3A_9 : vector<4096xf32> to vector<4096x1xf32>
    %get3A_11 = arith.constant 0 : index
    %get3A_12 = arith.constant 0 : index
    %get3A_13 = vector.load %arg2[%get3A_11, %get3A_12] : memref<4096x1xi32, #tpu.memory_space<vmem>>, vector<4096x1xi32>
    %convert_element_type3A = arith.sitofp %get3A_13 : vector<4096x1xi32> to vector<4096x1xf32>
    %eq3A_14 = arith.cmpf oeq, %broadcast_in_dim3A_10, %convert_element_type3A : vector<4096x1xf32>
    %convert_element_type3A_15 = arith.extui %eq3A_14 : vector<4096x1xi1> to vector<4096x1xi32>
    %convert_element_type3A_16 = arith.sitofp %convert_element_type3A_15 : vector<4096x1xi32> to vector<4096x1xf32>
    %get3A_17 = arith.constant 0 : index
    %get3A_18 = arith.constant 0 : index
    %get3A_19 = vector.load %arg0[%get3A_17, %get3A_18] : memref<3x16xf32, #tpu.memory_space<vmem>>, vector<3x16xf32>
    %iota3A = tpu.iota {dimensions = array<i32: 1>} : vector<1x16xi32>
    %convert_element_type3A_20 = arith.sitofp %iota3A : vector<1x16xi32> to vector<1x16xf32>
    %lt3A = arith.constant 15 : i32
    %lt3A_21 = vector.broadcast %lt3A : i32 to vector<1x16xi32>
    %lt3A_22 = arith.cmpi slt, %iota3A, %lt3A_21 : vector<1x16xi32>
    %mul3A = arith.constant 0.0666666701 : f32
    %mul3A_23 = vector.broadcast %mul3A : f32 to vector<1x16xf32>
    %mul3A_24 = arith.mulf %convert_element_type3A_20, %mul3A_23 : vector<1x16xf32>
    %jit3A_25 = arith.constant 2.000000e+00 : f32
    %broadcast_in_dim3A_26 = vector.broadcast %jit3A_25 : f32 to vector<1x16xf32>
    %select_n3A_27 = arith.select %lt3A_22, %mul3A_24, %broadcast_in_dim3A_26 : vector<1x16xi1>, vector<1x16xf32>
    %eq3A_28 = arith.constant 14 : i32
    %eq3A_29 = vector.broadcast %eq3A_28 : i32 to vector<1x16xi32>
    %eq3A_30 = arith.cmpi eq, %iota3A, %eq3A_29 : vector<1x16xi32>
    %add3A = arith.constant 1.000000e+00 : f32
    %add3A_31 = vector.broadcast %add3A : f32 to vector<1x16xf32>
    %add3A_32 = arith.addf %convert_element_type3A_20, %add3A_31 : vector<1x16xf32>
    %mul3A_33 = arith.constant 0.0666666701 : f32
    %mul3A_34 = vector.broadcast %mul3A_33 : f32 to vector<1x16xf32>
    %mul3A_35 = arith.mulf %add3A_32, %mul3A_34 : vector<1x16xf32>
    %jit3A_36 = arith.constant 1.000000e+00 : f32
    %broadcast_in_dim3A_37 = vector.broadcast %jit3A_36 : f32 to vector<1x16xf32>
    %select_n3A_38 = arith.select %eq3A_30, %broadcast_in_dim3A_37, %mul3A_35 : vector<1x16xi1>, vector<1x16xf32>
    %gt3A = vector.broadcast %div3A : vector<4096x1xf32> to vector<4096x16xf32>
    %gt3A_39 = vector.broadcast %select_n3A_27 : vector<1x16xf32> to vector<4096x16xf32>
    %gt3A_40 = arith.cmpf ogt, %gt3A, %gt3A_39 : vector<4096x16xf32>
    %le3A = vector.broadcast %div3A : vector<4096x1xf32> to vector<4096x16xf32>
    %le3A_41 = vector.broadcast %select_n3A_38 : vector<1x16xf32> to vector<4096x16xf32>
    %le3A_42 = arith.cmpf ole, %le3A, %le3A_41 : vector<4096x16xf32>
    %and3A = arith.andi %gt3A_40, %le3A_42 : vector<4096x16xi1>
    %convert_element_type3A_43 = arith.extui %and3A : vector<4096x16xi1> to vector<4096x16xi32>
    %convert_element_type3A_44 = arith.sitofp %convert_element_type3A_43 : vector<4096x16xi32> to vector<4096x16xf32>
    %reduce_sum3A_45 = arith.constant dense<0.000000e+00> : vector<16xf32>
    %reduce_sum3A_46 = vector.multi_reduction <add>, %convert_element_type3A_44, %reduce_sum3A_45 [0] : vector<4096x16xf32> to vector<16xf32>
    %broadcast_in_dim3A_47 = vector.shape_cast %reduce_sum3A_46 : vector<16xf32> to vector<1x16xf32>
    %mul3A_48 = vector.broadcast %convert_element_type3A_16 : vector<4096x1xf32> to vector<4096x16xf32>
    %mul3A_49 = arith.mulf %mul3A_48, %convert_element_type3A_44 : vector<4096x16xf32>
    %reduce_sum3A_50 = arith.constant dense<0.000000e+00> : vector<16xf32>
    %reduce_sum3A_51 = vector.multi_reduction <add>, %mul3A_49, %reduce_sum3A_50 [0] : vector<4096x16xf32> to vector<16xf32>
    %broadcast_in_dim3A_52 = vector.shape_cast %reduce_sum3A_51 : vector<16xf32> to vector<1x16xf32>
    %mul3A_53 = vector.broadcast %div3A : vector<4096x1xf32> to vector<4096x16xf32>
    %mul3A_54 = arith.mulf %mul3A_53, %convert_element_type3A_44 : vector<4096x16xf32>
    %reduce_sum3A_55 = arith.constant dense<0.000000e+00> : vector<16xf32>
    %reduce_sum3A_56 = vector.multi_reduction <add>, %mul3A_54, %reduce_sum3A_55 [0] : vector<4096x16xf32> to vector<16xf32>
    %broadcast_in_dim3A_57 = vector.shape_cast %reduce_sum3A_56 : vector<16xf32> to vector<1x16xf32>
    %concatenate3A = tpu.concatenate %broadcast_in_dim3A_47, %broadcast_in_dim3A_52, %broadcast_in_dim3A_57 in 0 : vector<1x16xf32>, vector<1x16xf32>, vector<1x16xf32> -> vector<3x16xf32>
    %add3A_58 = arith.addf %get3A_19, %concatenate3A : vector<3x16xf32>
    %slice3A_59 = vector.extract_strided_slice %add3A_58 {offsets = [0, 0], sizes = [1, 15], strides = [1, 1]} : vector<3x16xf32> to vector<1x15xf32>
    %slice3A_60 = vector.extract_strided_slice %add3A_58 {offsets = [1, 0], sizes = [1, 15], strides = [1, 1]} : vector<3x16xf32> to vector<1x15xf32>
    %slice3A_61 = vector.extract_strided_slice %add3A_58 {offsets = [2, 0], sizes = [1, 15], strides = [1, 1]} : vector<3x16xf32> to vector<1x15xf32>
    %div3A_62 = arith.constant 1.638400e+04 : f32
    %div3A_63 = vector.broadcast %div3A_62 : f32 to vector<1x15xf32>
    %div3A_64 = arith.divf %slice3A_59, %div3A_63 : vector<1x15xf32>
    %max3A = arith.constant 1.000000e+00 : f32
    %max3A_65 = vector.broadcast %max3A : f32 to vector<1x15xf32>
    %max3A_66 = arith.maximumf %slice3A_59, %max3A_65 : vector<1x15xf32>
    %div3A_67 = arith.divf %slice3A_60, %max3A_66 : vector<1x15xf32>
    %div3A_68 = arith.divf %slice3A_61, %max3A_66 : vector<1x15xf32>
    %gt3A_69 = arith.constant 0.000000e+00 : f32
    %gt3A_70 = vector.broadcast %gt3A_69 : f32 to vector<1x15xf32>
    %gt3A_71 = arith.cmpf ogt, %slice3A_59, %gt3A_70 : vector<1x15xf32>
    %sub3A = arith.subf %div3A_68, %div3A_67 : vector<1x15xf32>
    %abs3A = math.absf %sub3A : vector<1x15xf32>
    %mul3A_72 = arith.mulf %abs3A, %div3A_64 : vector<1x15xf32>
    %jit3A_73 = arith.constant 0.000000e+00 : f32
    %broadcast_in_dim3A_74 = vector.broadcast %jit3A_73 : f32 to vector<1x15xf32>
    %select_n3A_75 = arith.select %gt3A_71, %mul3A_72, %broadcast_in_dim3A_74 : vector<1x15xi1>, vector<1x15xf32>
    %reduce_sum3A_76 = vector.shape_cast %select_n3A_75 : vector<1x15xf32> to vector<1x1x15xf32>
    %reduce_sum3A_77 = arith.constant dense<0.000000e+00> : vector<1xf32>
    %reduce_sum3A_78 = vector.multi_reduction <add>, %reduce_sum3A_76, %reduce_sum3A_77 [1, 2] : vector<1x1x15xf32> to vector<1xf32>
    %reduce_sum3A_79 = vector.shape_cast %reduce_sum3A_78 : vector<1xf32> to vector<1x1x1xf32>
    %reduce_sum3A_80 = vector.extract %reduce_sum3A_79[0, 0, 0] : f32 from vector<1x1x1xf32>
    %broadcast_in_dim3A_81 = vector.broadcast %reduce_sum3A_80 : f32 to vector<1x1xf32>
    %swap3A = arith.constant 0 : index
    %swap3A_82 = arith.constant 0 : index
    %swap3A_83 = vector.load %arg3[%swap3A, %swap3A_82] : memref<1x1xf32, #tpu.memory_space<vmem>>, vector<1x1xf32>
    tpu.vector_store %arg3[%swap3A, %swap3A_82], %broadcast_in_dim3A_81 {strides = array<i32>} : memref<1x1xf32, #tpu.memory_space<vmem>>, vector<1x1xf32>,
    %jit3A_84 = arith.constant 0x7FC00000 : f32
    %broadcast_in_dim3A_85 = vector.broadcast %jit3A_84 : f32 to vector<1x15xf32>
    %select_n3A_86 = arith.select %gt3A_71, %div3A_67, %broadcast_in_dim3A_85 : vector<1x15xi1>, vector<1x15xf32>
    %swap3A_87 = arith.constant 0 : index
    %swap3A_88 = arith.constant 0 : index
    %swap3A_89 = vector.load %arg4[%swap3A_87, %swap3A_88] : memref<1x15xf32, #tpu.memory_space<vmem>>, vector<1x15xf32>
    tpu.vector_store %arg4[%swap3A_87, %swap3A_88], %select_n3A_86 {strides = array<i32>} : memref<1x15xf32, #tpu.memory_space<vmem>>, vector<1x15xf32>,
    %jit3A_90 = arith.constant 0x7FC00000 : f32
    %broadcast_in_dim3A_91 = vector.broadcast %jit3A_90 : f32 to vector<1x15xf32>
    %select_n3A_92 = arith.select %gt3A_71, %div3A_68, %broadcast_in_dim3A_91 : vector<1x15xi1>, vector<1x15xf32>
    %swap3A_93 = arith.constant 0 : index
    %swap3A_94 = arith.constant 0 : index
    %swap3A_95 = vector.load %arg5[%swap3A_93, %swap3A_94] : memref<1x15xf32, #tpu.memory_space<vmem>>, vector<1x15xf32>
    tpu.vector_store %arg5[%swap3A_93, %swap3A_94], %select_n3A_92 {strides = array<i32>} : memref<1x15xf32, #tpu.memory_space<vmem>>, vector<1x15xf32>,
    return
  }
}

</mosaic_0001>

<sc_bundles>
// kernel: kernel.5.cloned.1.call-start
scs
__scs_entry_jumppad:
0x0: {  	(pc) =	sbr.rel $0x88, $3  }
0x1: {  	(tag) =	ssettag $0x0;
	lr =	simm.s32 $0x1  }
0x2: {  	[smem:$0x3F9F] =	sst lr;
	_ =	strace $0xD0000000  }
0x3: {  	_ = 	snop  }
0x4: {  	_ = 	snop  }
0x5: {  	_ = 	snop  }
0x6: {  	_ = 	snop  }
0x7: {  	_ = 	snop  }
__scs_overlays_trampoline_lowered:
0x8: {  	[smem:$0x3FAE] =	sst s0  }
0x9: {  	[smem:$0x3FAF] =	sst s1  }
0xa: {  	[smem:$0x3FB0] =	sst s2  }
0xb: {  	[smem:$0x3FB1] =	sst s3  }
0xc: {  	[smem:$0x3FB2] =	sst s4  }
0xd: {  	[smem:$0x3FB3] =	sst s5  }
0xe: {  	[smem:$0x3FB4] =	sst s6  }
0xf: {  	[smem:$0x3FB5] =	sst s7  }
0x10: {  	[smem:$0x3FB6] =	sst s8  }
0x11: {  	[smem:$0x3FB7] =	sst s9;
	s0 =	simm.s32 @!p0 $0x0  }
0x12: {  	s1 =	sld [smem:$0x3F9D];
	s0 =	simm.s32 @p0 $0x1  }
0x13: {  	[smem:$0x3FB8] =	sst s0;
	s0 =	simm.s32 @!p1 $0x0  }
0x14: {  	s2 =	sld [smem:$0x3F9C];
	s0 =	simm.s32 @p1 $0x1  }
0x15: {  	[smem:$0x3FB9] =	sst s0;
	s0 =	simm.s32 @!p2 $0x0  }
0x16: {  	s3 =	sld [smem:$0x3FDB];
	s0 =	simm.s32 @p2 $0x1  }
0x17: {  	s4 =	simm.s32 $0x1BF5;
	[smem:$0x3FBB] =	sst s0  }
0x18: {  	s0 =	sld [smem:$0x3F9E];
	_ =	swait.ge [sflag:s4], $0x0  }
0x19: {  	s7 =	sld [smem:$0x3F9F]  }
0x1a: {  	s8 =	sadd.s32 $0xFFFFE003, lr  }
0x1b: {  	s9 =	sadd.s32 $0xFFFFFEF7, lr;
	s5 =	simm.s32 $0xFFFFFFFF;
	p2 =	slt.u32 s8, $0xFFFFF086  }
0x1c: {  	p1 =	slt.u32 s9, $0xF7A;
	s5 =	simm.s32 @!p2 $0x0  }
0x1d: {  	s5 =	simm.s32 @p1 $0x1;
	p0 =	seq.s32 s7, s2  }
0x1e: {  	s7 =	smul.u32 @!p0 $0xF7A, s2;
	p2 =	seq.s32 @!p0 s5, $0x0  }
0x1f: {  	s9 =	smul.u32 $0xF7A, s1;
	s8 =	simm.s32 @!p0 $0x1BF5;
	p2 =	por !p2, p0  }
0x20: {  	[sflag:s8] =	ssyncset.s32 @!p0 $0xFFFFF086;
	s6 =	sadd.s32 @!p0 s3, s7;
	s7 =	simm.s32 @!p0 $0x108  }
0x21: {  	s3 =	sadd.s32 s3, s9;
	s6 =	sadd.s32 @!p0 $0x88, s6;
	s7 =	simm.s32 @p2 $0x1082  }
0x22: {  	[simem:s7], [sflag:s8] =	dma.local @!p0 [hbm:s6], $0xF7A  }
0x23: {  	s9 =	sor.u32 $0xD0000000, s2;
	s6 =	simm.s32 $0x108;
	_ =	swait.ge @!p0 [sflag:s8], $0x0  }
0x24: {  	s3 =	sadd.s32 $0x88, s3;
	s6 =	simm.s32 @!p1 $0x1082;
	[sflag:s4] =	ssyncset.s32 $0xFFFFF086  }
0x25: {  	[simem:s6], [sflag:s4] =	dma.local [hbm:s3], $0xF7A  }
0x26: {  	[smem:$0x3F9F] =	sst s1;
	(tag) =	ssettag s2;
	_ =	strace s9  }
0x27: {  	s1 =	sld [smem:$0x3FAF]  }
0x28: {  	s2 =	sld [smem:$0x3FB0]  }
0x29: {  	s4 =	sld [smem:$0x3FB2]  }
0x2a: {  	p0 =	seq.s32 s5, $0x0;
	s5 =	sld [smem:$0x3FB3]  }
0x2b: {  	s6 =	sld [smem:$0x3FB4]  }
0x2c: {  	s7 =	sld [smem:$0x3FB5]  }
0x2d: {  	s3 =	simm.s32 $0x108;
	s8 =	sld [smem:$0x3FB6]  }
0x2e: {  	s3 =	simm.s32 @!p0 $0x1082;
	s9 =	sld [smem:$0x3FB7]  }
0x2f: {  	lr =	sadd.s32 s0, s3;
	s0 =	sld [smem:$0x3FAE]  }
0x30: {  	s3 =	sld [smem:$0x3FB1]  }
0x31: {  	[smem:$0x3FBA] =	sst s10  }
0x32: {  	s10 =	sld [smem:$0x3FB8];
	_ =	sdelay $0x3  }
0x33: {  	p0 =	seq.s32 s10, $0x1;
	s10 =	sld [smem:$0x3FBA];
	_ =	sdelay $0x3  }
0x34: {  	[smem:$0x3FBA] =	sst s10  }
0x35: {  	s10 =	sld [smem:$0x3FB9];
	_ =	sdelay $0x3  }
0x36: {  	p1 =	seq.s32 s10, $0x1;
	s10 =	sld [smem:$0x3FBA];
	_ =	sdelay $0x3  }
0x37: {  	[smem:$0x3FBA] =	sst s10  }
0x38: {  	s10 =	sld [smem:$0x3FBB]  }
0x39: {  	_ = 	snop;
	(pc) =	sbr.ind lr, $3  }
0x3a: {  	_ = 	snop  }
0x3b: {  	_ = 	snop  }
0x3c: {  	p2 =	seq.s32 s10, $0x1;
	s10 =	sld [smem:$0x3FBA]  }
0x3d: {  	_ =	shalt  }
0x3e: {  	_ =	shalt  }
0x3f: {  	_ =	shalt  }
0x40: {  	_ =	shalt  }
0x41: {  	_ =	shalt  }
0x42: {  	_ =	shalt  }
0x43: {  	_ =	shalt  }
0x44: {  	_ =	shalt  }
0x45: {  	_ =	shalt  }
0x46: {  	_ =	shalt  }
0x47: {  	_ =	shalt  }
0x48: {  	_ =	shalt  }
0x49: {  	_ =	shalt  }
0x4a: {  	_ =	shalt  }
0x4b: {  	_ =	shalt  }
0x4c: {  	_ =	shalt  }
0x4d: {  	_ =	shalt  }
0x4e: {  	_ =	shalt  }
0x4f: {  	_ =	shalt  }
0x50: {  	_ =	shalt  }
0x51: {  	_ =	shalt  }
0x52: {  	_ =	shalt  }
0x53: {  	_ =	shalt  }
0x54: {  	_ =	shalt  }
0x55: {  	_ =	shalt  }
0x56: {  	_ =	shalt  }
0x57: {  	_ =	shalt  }
0x58: {  	_ =	shalt  }
0x59: {  	_ =	shalt  }
0x5a: {  	_ =	shalt  }
0x5b: {  	_ =	shalt  }
0x5c: {  	_ =	shalt  }
0x5d: {  	_ =	shalt  }
0x5e: {  	_ =	shalt  }
0x5f: {  	_ =	shalt  }
0x60: {  	_ =	shalt  }
0x61: {  	_ =	shalt  }
0x62: {  	_ =	shalt  }
0x63: {  	_ =	shalt  }
0x64: {  	_ =	shalt  }
0x65: {  	_ =	shalt  }
0x66: {  	_ =	shalt  }
0x67: {  	_ =	shalt  }
0x68: {  	_ =	shalt  }
0x69: {  	_ =	shalt  }
0x6a: {  	_ =	shalt  }
0x6b: {  	_ =	shalt  }
0x6c: {  	_ =	shalt  }
0x6d: {  	_ =	shalt  }
0x6e: {  	_ =	shalt  }
0x6f: {  	_ =	shalt  }
0x70: {  	_ =	shalt  }
0x71: {  	_ =	shalt  }
0x72: {  	_ =	shalt  }
0x73: {  	_ =	shalt  }
0x74: {  	_ =	shalt  }
0x75: {  	_ =	shalt  }
0x76: {  	_ =	shalt  }
0x77: {  	_ =	shalt  }
0x78: {  	_ =	shalt  }
0x79: {  	_ =	shalt  }
0x7a: {  	_ =	shalt  }
0x7b: {  	_ =	shalt  }
0x7c: {  	_ =	shalt  }
0x7d: {  	_ =	shalt  }
0x7e: {  	_ =	shalt  }
0x7f: {  	_ =	shalt  }
0x80: {  	_ =	shalt  }
0x81: {  	_ =	shalt  }
0x82: {  	_ =	shalt  }
0x83: {  	_ =	shalt  }
0x84: {  	_ =	shalt  }
0x85: {  	_ =	shalt  }
0x86: {  	_ =	shalt  }
0x87: {  	_ =	shalt  }
.Lfunc_end0:
.L_simem_size_0:
called_computation_lowered:
.L_overlay_start_0:
0x88: {  	s2 =	sld [smem:$0x3FD9]  }
0x89: {  	s3 =	sld [smem:$0x3FFE];
	_ =	sdelay $0x1  }
0x8a: {  	s1 =	srdreg.scid  }
0x8b: {  	s0 =	sand.u32 $0x1, s1  }
0x8c: {  	s16 =	sshll.u32 s0, $0xA;
	s2 =	sadd.s32 s3, s2  }
0x8d: {  	s2 =	sadd.s32 s2, s16  }
0x8e: {  	[smem:$0x3FC6] =	sst s2  }
0x8f: {  	_ = 	snop  }
0x90: {  	(tm) =	ssettm $0x1  }
0x91: {  	s17 =	sld [smem:$0x3FFB];
	_ =	sdelay $0x3  }
0x92: {  	_ =	strace s17  }
0x93: {  	s2 =	sld [smem:$0x3FFC];
	_ =	sdelay $0x3  }
0x94: {  	_ =	strace s2  }
0x95: {  	s2 =	sld [smem:$0x3FFD];
	_ =	sdelay $0x3  }
0x96: {  	_ =	strace s2  }
0x97: {  	_ =	strace $0x8FFFFFFF  }
0x98: {  	s18 =	sld [smem:$0x3FDB];
	_ =	sdelay $0x1  }
0x99: {  	s19 =	simm.s32 $_scs_section_size  }
0x9a: {  	s4 =	simm.s32 $_size__tile_overlayer_lowered;
	s5 =	simm.s32 $_tile_overlayer_lowered  }
0x9b: {  	s22 =	simm.s32 $0x1BFF;
	s21 =	sshll.u32 s5, $0x1;
	s2 =	sadd.s32 s19, s18  }
0x9c: {  	s6 =	simm.s32 $0x0;
	s20 =	sshll.u32 s4, $0x1;
	s4 =	sadd.s32 s21, s2  }
0x9d: {  	[timem:s6], [sflag:s22] =	dma.local [hbm:s4], s20  }
0x9e: {  	_ =	swait.ge [sflag:s22], s20  }
0x9f: {  	s3 =	ssub.s32 $0x0, s20;
	[sflag:s22] =	ssyncset.done $0x0  }
0xa0: {  	[sflag:s22] =	ssyncadd.s32 s3;
	_ =	sdelay $0x1  }
0xa1: {  	s23 =	simm.s32 $0x1B8B  }
0xa2: {  	_ =	swait.ge [sflag:s23], $0x1  }
0xa3: {  	[sflag:s23] =	ssyncset.done $0x0  }
0xa4: {  	s25 =	simm.s32 $0x1B8E;
	s24 =	sld [smem:$0x3FFE];
	[sflag:s23] =	ssyncadd.s32 $0xFFFFFFFF  }
0xa5: {  	s26 =	simm.s32 $execute0_lowered;
	[smem:$0x3FD2] =	sst s25  }
0xa6: {  	s4 =	sshll.u32 s26, $0x1;
	_ =	strace $0x80000046;
	[dreg:$0x1] =	wrdreg $0xFFFFFFFF  }
0xa7: {  	s28 =	simm.s32 $_size_execute0_lowered;
	s2 =	sadd.s32 s2, s4;
	[dreg:$0x0] =	wrdreg $0x0  }
0xa8: {  	s4 =	sshll.u32 s28, $0x1;
	[dreg:$0x2] =	wrdreg s2  }
0xa9: {  	[dreg:$0x3] =	wrdreg s4  }
0xaa: {  	[dreg:$0x4] =	wrdreg $0xC0  }
0xab: {  	_ =	task [dreg:s6], $0x5FFFF  }
0xac: {  	[dreg:$0x1] =	wrdreg $0xFFFFFFFF  }
0xad: {  	[dreg:$0x0] =	wrdreg $0x60  }
0xae: {  	[dreg:$0x2] =	wrdreg s24  }
0xaf: {  	[dreg:$0x3] =	wrdreg $0x9  }
0xb0: {  	_ =	task.clear_ibuf [dreg:s6], $0x4FFFF;
	_ =	strace $0x90000046  }
0xb1: {  	s29 =	simm.s32 $0x9;
	_ =	strace $0x80000048  }
0xb2: {  	_ =	swait.ge [sflag:s29], $0x1  }
0xb3: {  	[sflag:s29] =	ssyncadd.s32 $0xFFFFFFFF  }
0xb4: {  	_ =	strace $0x90000048  }
0xb5: {  	_ =	sfence  }
0xb6: {  	s30 =	sld [smem:$0x0];
	_ =	sdelay $0x2  }
0xb7: {  	s31 =	sshll.u32 s1, $0xD;
	s1 =	sshrl.u32 s1, $0x2  }
0xb8: {  	s3 =	sand.u32 $0x4000, s31;
	s1 =	sadd.s32 s1, s30  }
0xb9: {  	s0 =	sor.u32 s3, s0;
	s1 =	sshll.u32 s1, $0x11  }
0xba: {  	s0 =	sor.u32 s1, s0  }
0xbb: {  	s0 =	sadd.s32 $0x8F2B, s0  }
0xbc: {  	[sflag:s0] =	ssyncadd.remote.s32 $0x1  }
0xbd: {  	_ =	sfence.sel $0xFFFF  }
0xbe: {  	[dreg:$0x0] =	wrdreg $0xFFFFFFFF;
	(pc) =	sbr.abs _section_cstart, $3  }
0xbf: {  	[dreg:$0x1] =	wrdreg $0xFFFFFFFF  }
0xc0: {  	_ =	task.clear_ibuf [dreg:s6], $0x2FFFF;
	_ =	strace $0x9FFFFFFF  }
0xc1: {  	(tm) =	ssettm $0x7FFFFFFF  }
tec
execute0_lowered:
.L_overlay_start_1:
0x0: {  	(tag) =	ssettag $0x1  }
0x1: {  	v0 =	vimm.f32 $3.100000000e+01;
	vm14 =	vcmask $0x300;
	vm13 =	vcmask $0x704  }
0x2: {  	vm12 =	vcmask $0xB08;
	vm11 =	vcmask $0xF0C;
	vm10 =	vcmask $0x1310  }
0x3: {  	vm9 =	vcmask $0x1714;
	vm8 =	vcmask $0x1B18;
	vm7 =	vcmask $0x1F1C  }
0x4: {  	vm6 =	vcmask $0x2320;
	vm5 =	vcmask $0x2724;
	vm4 =	vcmask $0x2B28  }
0x5: {  	vm3 =	vcmask $0x2F2C;
	vm2 =	vcmask $0x3330;
	v1 =	vimm.f32 $6.300000000e+01  }
0x6: {  	vm0 =	vcmask $0x3734;
	vm1 =	vcmask $0x3B38;
	v45 =	vimm.f32 $9.500000000e+01  }
0x7: {  	v2 =	vimm.f32 $1.270000000e+02;
	v48 =	vimm.f32 $1.590000000e+02;
	v52 =	vimm.f32 $1.910000000e+02  }
0x8: {  	v53 =	vimm.f32 $2.230000000e+02;
	v56 =	vimm.f32 $2.550000000e+02;
	v60 =	vimm.f32 $2.870000000e+02  }
0x9: {  	v61 =	vimm.f32 $3.190000000e+02;
	v12 =	vimm.f32 $3.510000000e+02;
	v16 =	vimm.f32 $3.830000000e+02  }
0xa: {  	v17 =	vimm.f32 $4.150000000e+02;
	v32 =	vimm.f32 $4.470000000e+02;
	v39 =	vimm.f32 $4.790000000e+02  }
0xb: {  	v40 =	vimm.f32 $5.110000000e+02;
	v43 =	vimm.f32 $5.430000000e+02;
	v0 =	vsel vm14, $0x41800000, v0  }
0xc: {  	v1 =	vsel vm14, $0x42400000, v1;
	v2 =	vsel vm14, $0x42E00000, v2;
	v0 =	vsel vm13, $0x41880000, v0  }
0xd: {  	v1 =	vsel vm13, $0x42440000, v1;
	v2 =	vsel vm13, $0x42E20000, v2;
	v0 =	vsel vm12, $0x41900000, v0  }
0xe: {  	v44 =	vsel vm12, $0x42480000, v1;
	v1 =	vsel vm14, $0x42A00000, v45;
	v2 =	vsel vm12, $0x42E40000, v2  }
0xf: {  	v0 =	vsel vm11, $0x41980000, v0;
	v1 =	vsel vm13, $0x42A20000, v1;
	v2 =	vsel vm11, $0x42E60000, v2  }
0x10: {  	v0 =	vsel vm10, $0x41A00000, v0;
	v1 =	vsel vm12, $0x42A40000, v1;
	v2 =	vsel vm10, $0x42E80000, v2  }
0x11: {  	v0 =	vsel vm9, $0x41A80000, v0;
	v1 =	vsel vm11, $0x42A60000, v1;
	v2 =	vsel vm9, $0x42EA0000, v2  }
0x12: {  	v0 =	vsel vm8, $0x41B00000, v0;
	v1 =	vsel vm10, $0x42A80000, v1;
	v2 =	vsel vm8, $0x42EC0000, v2  }
0x13: {  	v0 =	vsel vm7, $0x41B80000, v0;
	v1 =	vsel vm9, $0x42AA0000, v1;
	v2 =	vsel vm7, $0x42EE0000, v2  }
0x14: {  	v0 =	vsel vm6, $0x41C00000, v0;
	v1 =	vsel vm8, $0x42AC0000, v1;
	v2 =	vsel vm6, $0x42F00000, v2  }
0x15: {  	v0 =	vsel vm5, $0x41C80000, v0;
	v1 =	vsel vm7, $0x42AE0000, v1;
	v2 =	vsel vm5, $0x42F20000, v2  }
0x16: {  	v0 =	vsel vm4, $0x41D00000, v0;
	v1 =	vsel vm6, $0x42B00000, v1;
	v47 =	vsel vm4, $0x42F40000, v2  }
0x17: {  	v2 =	vsel vm14, $0x43100000, v48;
	v48 =	vimm.f32 $6.070000000e+02;
	v0 =	vsel vm3, $0x41D80000, v0  }
0x18: {  	v1 =	vsel vm5, $0x42B20000, v1;
	v50 =	vsel vm13, $0x43110000, v2;
	v2 =	vsel vm14, $0x43500000, v53  }
0x19: {  	v0 =	vsel vm2, $0x41E00000, v0;
	v1 =	vsel vm4, $0x42B40000, v1;
	v51 =	vsel vm12, $0x43120000, v50  }
0x1a: {  	v2 =	vsel vm13, $0x43510000, v2;
	v0 =	vsel vm0, $0x41E80000, v0;
	v46 =	vsel vm3, $0x42B60000, v1  }
0x1b: {  	v1 =	vsel vm3, $0x42F60000, v47;
	v2 =	vsel vm12, $0x43520000, v2;
	v47 =	vimm.f32 $5.750000000e+02  }
0x1c: {  	v4 =	vsel vm1, $0x41F00000, v0;
	v0 =	vsel vm11, $0x424C0000, v44;
	v1 =	vsel vm2, $0x42F80000, v1  }
0x1d: {  	v2 =	vsel vm11, $0x43530000, v2;
	v0 =	vsel vm10, $0x42500000, v0;
	v49 =	vsel vm0, $0x42FA0000, v1  }
0x1e: {  	v1 =	vsel vm14, $0x43300000, v52;
	v2 =	vsel vm10, $0x43540000, v2;
	v0 =	vsel vm9, $0x42540000, v0  }
0x1f: {  	v8 =	vsel vm1, $0x42FC0000, v49;
	v1 =	vsel vm13, $0x43310000, v1;
	v2 =	vsel vm9, $0x43550000, v2  }
0x20: {  	v0 =	vsel vm8, $0x42580000, v0;
	v1 =	vsel vm12, $0x43320000, v1;
	v2 =	vsel vm8, $0x43560000, v2  }
0x21: {  	v0 =	vsel vm7, $0x425C0000, v0;
	v1 =	vsel vm11, $0x43330000, v1;
	v2 =	vsel vm7, $0x43570000, v2  }
0x22: {  	v0 =	vsel vm6, $0x42600000, v0;
	v1 =	vsel vm10, $0x43340000, v1;
	v2 =	vsel vm6, $0x43580000, v2  }
0x23: {  	v0 =	vsel vm5, $0x42640000, v0;
	v1 =	vsel vm9, $0x43350000, v1;
	v2 =	vsel vm5, $0x43590000, v2  }
0x24: {  	v0 =	vsel vm4, $0x42680000, v0;
	v1 =	vsel vm8, $0x43360000, v1;
	v55 =	vsel vm4, $0x435A0000, v2  }
0x25: {  	v2 =	vsel vm14, $0x43700000, v56;
	v56 =	vimm.f32 $7.030000000e+02;
	v0 =	vsel vm3, $0x426C0000, v0  }
0x26: {  	v1 =	vsel vm7, $0x43370000, v1;
	v58 =	vsel vm13, $0x43710000, v2;
	v2 =	vsel vm14, $0x43980000, v61  }
0x27: {  	v0 =	vsel vm2, $0x42700000, v0;
	v1 =	vsel vm6, $0x43380000, v1;
	v59 =	vsel vm12, $0x43720000, v58  }
0x28: {  	v2 =	vsel vm13, $0x43988000, v2;
	v0 =	vsel vm0, $0x42740000, v0;
	v1 =	vsel vm5, $0x43390000, v1  }
0x29: {  	v2 =	vsel vm12, $0x43990000, v2;
	v6 =	vsel vm1, $0x42780000, v0;
	v0 =	vsel vm2, $0x42B80000, v46  }
0x2a: {  	v1 =	vsel vm4, $0x433A0000, v1;
	v2 =	vsel vm11, $0x43998000, v2;
	v0 =	vsel vm0, $0x42BA0000, v0  }
0x2b: {  	v54 =	vsel vm3, $0x433B0000, v1;
	v1 =	vsel vm3, $0x435B0000, v55;
	v2 =	vsel vm10, $0x439A0000, v2  }
0x2c: {  	v55 =	vimm.f32 $6.710000000e+02;
	v7 =	vsel vm1, $0x42BC0000, v0;
	v0 =	vsel vm11, $0x43130000, v51  }
0x2d: {  	v1 =	vsel vm2, $0x435C0000, v1;
	v2 =	vsel vm9, $0x439A8000, v2;
	v51 =	vimm.f32 $6.390000000e+02  }
0x2e: {  	v0 =	vsel vm10, $0x43140000, v0;
	v57 =	vsel vm0, $0x435D0000, v1;
	v1 =	vsel vm14, $0x43880000, v60  }
0x2f: {  	v2 =	vsel vm8, $0x439B0000, v2;
	v0 =	vsel vm9, $0x43150000, v0;
	v25 =	vsel vm1, $0x435E0000, v57  }
0x30: {  	v1 =	vsel vm13, $0x43888000, v1;
	v2 =	vsel vm7, $0x439B8000, v2;
	v0 =	vsel vm8, $0x43160000, v0  }
0x31: {  	v1 =	vsel vm12, $0x43890000, v1;
	v2 =	vsel vm6, $0x439C0000, v2;
	v0 =	vsel vm7, $0x43170000, v0  }
0x32: {  	v1 =	vsel vm11, $0x43898000, v1;
	v2 =	vsel vm5, $0x439C8000, v2;
	v0 =	vsel vm6, $0x43180000, v0  }
0x33: {  	v1 =	vsel vm10, $0x438A0000, v1;
	v63 =	vsel vm4, $0x439D0000, v2;
	v2 =	vsel vm14, $0x43A80000, v12  }
0x34: {  	v12 =	vimm.f32 $7.990000000e+02;
	v0 =	vsel vm5, $0x43190000, v0;
	v1 =	vsel vm9, $0x438A8000, v1  }
0x35: {  	v14 =	vsel vm13, $0x43A88000, v2;
	v2 =	vsel vm14, $0x43C80000, v17;
	v0 =	vsel vm4, $0x431A0000, v0  }
0x36: {  	v1 =	vsel vm8, $0x438B0000, v1;
	v15 =	vsel vm12, $0x43A90000, v14;
	v2 =	vsel vm13, $0x43C88000, v2  }
0x37: {  	v0 =	vsel vm3, $0x431B0000, v0;
	v1 =	vsel vm7, $0x438B8000, v1;
	v2 =	vsel vm12, $0x43C90000, v2  }
0x38: {  	v0 =	vsel vm2, $0x431C0000, v0;
	v1 =	vsel vm6, $0x438C0000, v1;
	v2 =	vsel vm11, $0x43C98000, v2  }
0x39: {  	v0 =	vsel vm0, $0x431D0000, v0;
	v1 =	vsel vm5, $0x438C8000, v1;
	v2 =	vsel vm10, $0x43CA0000, v2  }
0x3a: {  	v9 =	vsel vm1, $0x431E0000, v0;
	v0 =	vsel vm2, $0x433C0000, v54;
	v1 =	vsel vm4, $0x438D0000, v1  }
0x3b: {  	v2 =	vsel vm9, $0x43CA8000, v2;
	v0 =	vsel vm0, $0x433D0000, v0;
	v62 =	vsel vm3, $0x438D8000, v1  }
0x3c: {  	v1 =	vsel vm3, $0x439D8000, v63;
	v2 =	vsel vm8, $0x43CB0000, v2;
	v63 =	vimm.f32 $7.670000000e+02  }
0x3d: {  	v10 =	vsel vm1, $0x433E0000, v0;
	v0 =	vsel vm11, $0x43730000, v59;
	v1 =	vsel vm2, $0x439E0000, v1  }
0x3e: {  	v2 =	vsel vm7, $0x43CB8000, v2;
	v59 =	vimm.f32 $7.350000000e+02;
	v0 =	vsel vm10, $0x43740000, v0  }
0x3f: {  	v13 =	vsel vm0, $0x439E8000, v1;
	v1 =	vsel vm14, $0x43B80000, v16;
	v2 =	vsel vm6, $0x43CC0000, v2  }
0x40: {  	v0 =	vsel vm9, $0x43750000, v0;
	v28 =	vsel vm1, $0x439F0000, v13;
	v1 =	vsel vm13, $0x43B88000, v1  }
0x41: {  	v2 =	vsel vm5, $0x43CC8000, v2;
	v0 =	vsel vm8, $0x43760000, v0;
	v1 =	vsel vm12, $0x43B90000, v1  }
0x42: {  	v19 =	vsel vm4, $0x43CD0000, v2;
	v2 =	vsel vm14, $0x43D80000, v32;
	v32 =	vimm.f32 $8.950000000e+02  }
0x43: {  	v0 =	vsel vm7, $0x43770000, v0;
	v1 =	vsel vm11, $0x43B98000, v1;
	v34 =	vsel vm13, $0x43D88000, v2  }
0x44: {  	v2 =	vsel vm14, $0x43F80000, v40;
	v0 =	vsel vm6, $0x43780000, v0;
	v1 =	vsel vm10, $0x43BA0000, v1  }
0x45: {  	v38 =	vsel vm12, $0x43D90000, v34;
	v2 =	vsel vm13, $0x43F88000, v2;
	v0 =	vsel vm5, $0x43790000, v0  }
0x46: {  	v1 =	vsel vm9, $0x43BA8000, v1;
	v2 =	vsel vm12, $0x43F90000, v2;
	v0 =	vsel vm4, $0x437A0000, v0  }
0x47: {  	v1 =	vsel vm8, $0x43BB0000, v1;
	v2 =	vsel vm11, $0x43F98000, v2;
	v0 =	vsel vm3, $0x437B0000, v0  }
0x48: {  	v1 =	vsel vm7, $0x43BB8000, v1;
	v2 =	vsel vm10, $0x43FA0000, v2;
	v0 =	vsel vm2, $0x437C0000, v0  }
0x49: {  	v1 =	vsel vm6, $0x43BC0000, v1;
	v2 =	vsel vm9, $0x43FA8000, v2;
	v0 =	vsel vm0, $0x437D0000, v0  }
0x4a: {  	v1 =	vsel vm5, $0x43BC8000, v1;
	v2 =	vsel vm8, $0x43FB0000, v2;
	v26 =	vsel vm1, $0x437E0000, v0  }
0x4b: {  	v0 =	vsel vm2, $0x438E0000, v62;
	v1 =	vsel vm4, $0x43BD0000, v1;
	v2 =	vsel vm7, $0x43FB8000, v2  }
0x4c: {  	v0 =	vsel vm0, $0x438E8000, v0;
	v18 =	vsel vm3, $0x43BD8000, v1;
	v1 =	vsel vm3, $0x43CD8000, v19  }
0x4d: {  	v2 =	vsel vm6, $0x43FC0000, v2;
	v19 =	vimm.f32 $8.630000000e+02;
	v27 =	vsel vm1, $0x438F0000, v0  }
0x4e: {  	v0 =	vsel vm11, $0x43A98000, v15;
	v1 =	vsel vm2, $0x43CE0000, v1;
	v2 =	vsel vm5, $0x43FC8000, v2  }
0x4f: {  	v15 =	vimm.f32 $8.310000000e+02;
	v0 =	vsel vm10, $0x43AA0000, v0;
	v33 =	vsel vm0, $0x43CE8000, v1  }
0x50: {  	v1 =	vsel vm14, $0x43E80000, v39;
	v42 =	vsel vm4, $0x43FD0000, v2;
	v2 =	vsel vm14, $0x44040000, v43  }
0x51: {  	v43 =	vimm.f32 $9.270000000e+02;
	v0 =	vsel vm9, $0x43AA8000, v0;
	v37 =	vsel vm1, $0x43CF0000, v33  }
0x52: {  	v1 =	vsel vm13, $0x43E88000, v1;
	v45 =	vsel vm13, $0x44044000, v2;
	v2 =	vsel vm14, $0x44140000, v48  }
0x53: {  	v0 =	vsel vm8, $0x43AB0000, v0;
	v1 =	vsel vm12, $0x43E90000, v1;
	v46 =	vsel vm12, $0x44048000, v45  }
0x54: {  	v2 =	vsel vm13, $0x44144000, v2;
	v0 =	vsel vm7, $0x43AB8000, v0;
	v1 =	vsel vm11, $0x43E98000, v1  }
0x55: {  	v2 =	vsel vm12, $0x44148000, v2;
	v0 =	vsel vm6, $0x43AC0000, v0;
	v1 =	vsel vm10, $0x43EA0000, v1  }
0x56: {  	v2 =	vsel vm11, $0x4414C000, v2;
	v0 =	vsel vm5, $0x43AC8000, v0;
	v1 =	vsel vm9, $0x43EA8000, v1  }
0x57: {  	v2 =	vsel vm10, $0x44150000, v2;
	v0 =	vsel vm4, $0x43AD0000, v0;
	v1 =	vsel vm8, $0x43EB0000, v1  }
0x58: {  	v2 =	vsel vm9, $0x44154000, v2;
	v0 =	vsel vm3, $0x43AD8000, v0;
	v1 =	vsel vm7, $0x43EB8000, v1  }
0x59: {  	v2 =	vsel vm8, $0x44158000, v2;
	v0 =	vsel vm2, $0x43AE0000, v0;
	v1 =	vsel vm6, $0x43EC0000, v1  }
0x5a: {  	v2 =	vsel vm7, $0x4415C000, v2;
	v0 =	vsel vm0, $0x43AE8000, v0;
	v1 =	vsel vm5, $0x43EC8000, v1  }
0x5b: {  	v2 =	vsel vm6, $0x44160000, v2;
	v35 =	vsel vm1, $0x43AF0000, v0;
	v0 =	vsel vm2, $0x43BE0000, v18  }
0x5c: {  	v1 =	vsel vm4, $0x43ED0000, v1;
	v2 =	vsel vm5, $0x44164000, v2;
	v0 =	vsel vm0, $0x43BE8000, v0  }
0x5d: {  	v41 =	vsel vm3, $0x43ED8000, v1;
	v1 =	vsel vm3, $0x43FD8000, v42;
	v50 =	vsel vm4, $0x44168000, v2  }
0x5e: {  	v2 =	vsel vm14, $0x441C0000, v51;
	v36 =	vsel vm1, $0x43BF0000, v0;
	v0 =	vsel vm11, $0x43D98000, v38  }
0x5f: {  	v1 =	vsel vm2, $0x43FE0000, v1;
	v53 =	vsel vm13, $0x441C4000, v2;
	v2 =	vsel vm14, $0x442C0000, v56  }
0x60: {  	v0 =	vsel vm10, $0x43DA0000, v0;
	v44 =	vsel vm0, $0x43FE8000, v1;
	v1 =	vsel vm14, $0x440C0000, v47  }
0x61: {  	v54 =	vsel vm12, $0x441C8000, v53;
	v2 =	vsel vm13, $0x442C4000, v2;
	v0 =	vsel vm9, $0x43DA8000, v0  }
0x62: {  	v40 =	vsel vm1, $0x43FF0000, v44;
	v1 =	vsel vm13, $0x440C4000, v1;
	v0 =	vsel vm8, $0x43DB0000, v0  }
0x63: {  	v2 =	vsel vm12, $0x442C8000, v2;
	v1 =	vsel vm12, $0x440C8000, v1;
	v0 =	vsel vm7, $0x43DB8000, v0  }
0x64: {  	v2 =	vsel vm11, $0x442CC000, v2;
	v1 =	vsel vm11, $0x440CC000, v1;
	v0 =	vsel vm6, $0x43DC0000, v0  }
0x65: {  	v2 =	vsel vm10, $0x442D0000, v2;
	v1 =	vsel vm10, $0x440D0000, v1;
	v0 =	vsel vm5, $0x43DC8000, v0  }
0x66: {  	v2 =	vsel vm9, $0x442D4000, v2;
	v1 =	vsel vm9, $0x440D4000, v1;
	v0 =	vsel vm4, $0x43DD0000, v0  }
0x67: {  	v2 =	vsel vm8, $0x442D8000, v2;
	v1 =	vsel vm8, $0x440D8000, v1;
	v0 =	vsel vm3, $0x43DD8000, v0  }
0x68: {  	v2 =	vsel vm7, $0x442DC000, v2;
	v1 =	vsel vm7, $0x440DC000, v1;
	v0 =	vsel vm2, $0x43DE0000, v0  }
0x69: {  	v2 =	vsel vm6, $0x442E0000, v2;
	v1 =	vsel vm6, $0x440E0000, v1;
	v0 =	vsel vm0, $0x43DE8000, v0  }
0x6a: {  	v2 =	vsel vm5, $0x442E4000, v2;
	v38 =	vsel vm1, $0x43DF0000, v0;
	v0 =	vsel vm2, $0x43EE0000, v41  }
0x6b: {  	v1 =	vsel vm5, $0x440E4000, v1;
	v58 =	vsel vm4, $0x442E8000, v2;
	v0 =	vsel vm0, $0x43EE8000, v0  }
0x6c: {  	v2 =	vsel vm14, $0x44340000, v59;
	v39 =	vsel vm1, $0x43EF0000, v0;
	v0 =	vsel vm11, $0x4404C000, v46  }
0x6d: {  	v1 =	vsel vm4, $0x440E8000, v1;
	v61 =	vsel vm13, $0x44344000, v2;
	v0 =	vsel vm10, $0x44050000, v0  }
0x6e: {  	v2 =	vsel vm14, $0x44440000, v12;
	v49 =	vsel vm3, $0x440EC000, v1;
	v0 =	vsel vm9, $0x44054000, v0  }
0x6f: {  	v1 =	vsel vm3, $0x4416C000, v50;
	v62 =	vsel vm12, $0x44348000, v61;
	v0 =	vsel vm8, $0x44058000, v0  }
0x70: {  	v2 =	vsel vm13, $0x44444000, v2;
	v50 =	vimm.s32 $0x41700000;
	v0 =	vsel vm7, $0x4405C000, v0  }
0x71: {  	v1 =	vsel vm2, $0x44170000, v1;
	v2 =	vsel vm12, $0x44448000, v2;
	v0 =	vsel vm6, $0x44060000, v0  }
0x72: {  	v52 =	vsel vm0, $0x44174000, v1;
	v1 =	vsel vm14, $0x44240000, v55;
	v0 =	vsel vm5, $0x44064000, v0  }
0x73: {  	v2 =	vsel vm11, $0x4444C000, v2;
	v55 =	vlaneseq.u32;
	v0 =	vsel vm4, $0x44068000, v0  }
0x74: {  	v46 =	vsel vm1, $0x44178000, v52;
	v1 =	vsel vm13, $0x44244000, v1;
	v0 =	vsel vm3, $0x4406C000, v0  }
0x75: {  	v2 =	vsel vm10, $0x44450000, v2;
	v3 =	vmul.u32 $0x40000, v55;
	v0 =	vsel vm2, $0x44070000, v0  }
0x76: {  	v59 =	vmul.u32 $0x20000, v55;
	v12 =	vmul.u32 $0x10000, v55;
	v0 =	vsel vm0, $0x44074000, v0  }
0x77: {  	v1 =	vsel vm12, $0x44248000, v1;
	v41 =	vsel vm1, $0x44078000, v0;
	v0 =	vsel vm2, $0x440F0000, v49  }
0x78: {  	v2 =	vsel vm9, $0x44454000, v2;
	v1 =	vsel vm11, $0x4424C000, v1;
	v0 =	vsel vm0, $0x440F4000, v0  }
0x79: {  	v2 =	vsel vm8, $0x44458000, v2;
	v42 =	vsel vm1, $0x440F8000, v0;
	v0 =	vsel vm11, $0x441CC000, v54  }
0x7a: {  	v61 =	vor.u32 $0x42000000, v3;
	v29 =	vor.u32 $0x43200000, v12;
	v0 =	vsel vm10, $0x441D0000, v0  }
0x7b: {  	v24 =	vor.u32 $0x43400000, v12;
	v21 =	vor.u32 $0x43600000, v12;
	v0 =	vsel vm9, $0x441D4000, v0  }
0x7c: {  	v1 =	vsel vm10, $0x44250000, v1;
	v2 =	vsel vm7, $0x4445C000, v2;
	v0 =	vsel vm8, $0x441D8000, v0  }
0x7d: {  	v1 =	vsel vm9, $0x44254000, v1;
	v2 =	vsel vm6, $0x44460000, v2;
	v0 =	vsel vm7, $0x441DC000, v0  }
0x7e: {  	v1 =	vsel vm8, $0x44258000, v1;
	v2 =	vsel vm5, $0x44464000, v2;
	v0 =	vsel vm6, $0x441E0000, v0  }
0x7f: {  	v1 =	vsel vm7, $0x4425C000, v1;
	v14 =	vsel vm4, $0x44468000, v2;
	v0 =	vsel vm5, $0x441E4000, v0  }
0x80: {  	v2 =	vsel vm14, $0x444C0000, v15;
	v1 =	vsel vm6, $0x44260000, v1;
	v0 =	vsel vm4, $0x441E8000, v0  }
0x81: {  	v15 =	vmul.u32 $0x8000, v55;
	v1 =	vsel vm5, $0x44264000, v1;
	v0 =	vsel vm3, $0x441EC000, v0  }
0x82: {  	v17 =	vsel vm13, $0x444C4000, v2;
	v1 =	vsel vm4, $0x44268000, v1;
	v0 =	vsel vm2, $0x441F0000, v0  }
0x83: {  	v57 =	vsel vm3, $0x4426C000, v1;
	v1 =	vsel vm3, $0x442EC000, v58;
	v0 =	vsel vm0, $0x441F4000, v0  }
0x84: {  	v1 =	vsel vm2, $0x442F0000, v1;
	v47 =	vsel vm1, $0x441F8000, v0;
	v0 =	vsel vm2, $0x44270000, v57  }
0x85: {  	v60 =	vsel vm0, $0x442F4000, v1;
	v1 =	vsel vm14, $0x443C0000, v63;
	v0 =	vsel vm0, $0x44274000, v0  }
0x86: {  	v2 =	vsel vm14, $0x445C0000, v32;
	v1 =	vsel vm13, $0x443C4000, v1;
	v0 =	vsel vm1, $0x44278000, v0  }
0x87: {  	v18 =	vsel vm12, $0x444C8000, v17;
	v1 =	vsel vm12, $0x443C8000, v1;
	[tilespmem:$0x1FE30] =	vst v0;
	v0 =	vsel vm1, $0x442F8000, v60  }
0x88: {  	v2 =	vsel vm13, $0x445C4000, v2;
	v1 =	vsel vm11, $0x443CC000, v1;
	[tilespmem:$0x1FE40] =	vst v0;
	v0 =	vsel vm11, $0x4434C000, v62  }
0x89: {  	v30 =	vor.u32 $0x43800000, v15;
	v1 =	vsel vm10, $0x443D0000, v1;
	v0 =	vsel vm10, $0x44350000, v0  }
0x8a: {  	v31 =	vor.u32 $0x43900000, v15;
	v1 =	vsel vm9, $0x443D4000, v1;
	v0 =	vsel vm9, $0x44354000, v0  }
0x8b: {  	v32 =	vor.u32 $0x43A00000, v15;
	v1 =	vsel vm8, $0x443D8000, v1;
	v0 =	vsel vm8, $0x44358000, v0  }
0x8c: {  	v23 =	vor.u32 $0x43B00000, v15;
	v1 =	vsel vm7, $0x443DC000, v1;
	v0 =	vsel vm7, $0x4435C000, v0  }
0x8d: {  	v22 =	vor.u32 $0x43C00000, v15;
	v1 =	vsel vm6, $0x443E0000, v1;
	v0 =	vsel vm6, $0x44360000, v0  }
0x8e: {  	v2 =	vsel vm12, $0x445C8000, v2;
	v1 =	vsel vm5, $0x443E4000, v1;
	v0 =	vsel vm5, $0x44364000, v0  }
0x8f: {  	v49 =	vimm.f32 $9.590000000e+02;
	v1 =	vsel vm4, $0x443E8000, v1;
	v0 =	vsel vm4, $0x44368000, v0  }
0x90: {  	v13 =	vsel vm3, $0x443EC000, v1;
	v1 =	vsel vm3, $0x4446C000, v14;
	v0 =	vsel vm3, $0x4436C000, v0  }
0x91: {  	v2 =	vsel vm11, $0x445CC000, v2;
	v1 =	vsel vm2, $0x44470000, v1;
	v0 =	vsel vm2, $0x44370000, v0  }
0x92: {  	v2 =	vsel vm10, $0x445D0000, v2;
	v16 =	vsel vm0, $0x44474000, v1;
	v0 =	vsel vm0, $0x44374000, v0  }
0x93: {  	v1 =	vsel vm14, $0x44540000, v19;
	v52 =	vsel vm1, $0x44378000, v0;
	v0 =	vsel vm2, $0x443F0000, v13  }
0x94: {  	v2 =	vsel vm9, $0x445D4000, v2;
	v1 =	vsel vm13, $0x44544000, v1;
	v0 =	vsel vm0, $0x443F4000, v0  }
0x95: {  	v1 =	vsel vm12, $0x44548000, v1;
	v53 =	vsel vm1, $0x443F8000, v0;
	v0 =	vsel vm11, $0x444CC000, v18  }
0x96: {  	v2 =	vsel vm8, $0x445D8000, v2;
	v1 =	vsel vm11, $0x4454C000, v1;
	v0 =	vsel vm10, $0x444D0000, v0  }
0x97: {  	v2 =	vsel vm7, $0x445DC000, v2;
	v1 =	vsel vm10, $0x44550000, v1;
	v0 =	vsel vm9, $0x444D4000, v0  }
0x98: {  	v2 =	vsel vm6, $0x445E0000, v2;
	v1 =	vsel vm9, $0x44554000, v1;
	v0 =	vsel vm8, $0x444D8000, v0  }
0x99: {  	v2 =	vsel vm5, $0x445E4000, v2;
	v1 =	vsel vm8, $0x44558000, v1;
	v0 =	vsel vm7, $0x444DC000, v0  }
0x9a: {  	v34 =	vsel vm4, $0x445E8000, v2;
	v1 =	vsel vm7, $0x4455C000, v1;
	v0 =	vsel vm6, $0x444E0000, v0  }
0x9b: {  	v2 =	vsel vm14, $0x44640000, v43;
	v1 =	vsel vm6, $0x44560000, v1;
	v0 =	vsel vm5, $0x444E4000, v0  }
0x9c: {  	v43 =	vor.u32 $0x42800000, v59;
	v1 =	vsel vm5, $0x44564000, v1;
	v0 =	vsel vm4, $0x444E8000, v0  }
0x9d: {  	v45 =	vsel vm13, $0x44644000, v2;
	v1 =	vsel vm4, $0x44568000, v1;
	v0 =	vsel vm3, $0x444EC000, v0  }
0x9e: {  	v48 =	vsel vm12, $0x44648000, v45;
	v33 =	vsel vm3, $0x4456C000, v1;
	v0 =	vsel vm2, $0x444F0000, v0  }
0x9f: {  	v1 =	vsel vm3, $0x445EC000, v34;
	v34 =	vmul.u32 $0x4000, v55;
	v0 =	vsel vm0, $0x444F4000, v0  }
0xa0: {  	v1 =	vsel vm2, $0x445F0000, v1;
	v14 =	vsel vm1, $0x444F8000, v0;
	v0 =	vsel vm2, $0x44570000, v33  }
0xa1: {  	v44 =	vsel vm0, $0x445F4000, v1;
	v1 =	vsel vm14, $0x446C0000, v49;
	v0 =	vsel vm0, $0x44574000, v0  }
0xa2: {  	v1 =	vsel vm13, $0x446C4000, v1;
	v17 =	vsel vm1, $0x44578000, v0;
	v0 =	vsel vm11, $0x4464C000, v48  }
0xa3: {  	s4 =	rddreg [dreg:$0x0];
	s1 =	simm.s32 $0x0;
	v3 =	vor.u32 $0x44380000, v34;
	v1 =	vsel vm12, $0x446C8000, v1;
	v0 =	vsel vm10, $0x44650000, v0  }
0xa4: {  	[smem:$0x7FF] =	sst s1;
	[tilespmem:$0x1FE50] =	vst v3;
	v3 =	vor.u32 $0x44400000, v34;
	v1 =	vsel vm11, $0x446CC000, v1;
	v0 =	vsel vm9, $0x44654000, v0  }
0xa5: {  	s0 =	rddreg [dreg:$0x1];
	v62 =	vor.u32 $0x44600000, v34;
	_ =	strace $0x80000047;
	[tilespmem:$0x1FE60] =	vst v3;
	v1 =	vsel vm10, $0x446D0000, v1;
	v0 =	vsel vm8, $0x44658000, v0  }
0xa6: {  	v2 =	vsel vm14, $0x0, v50;
	[tilespmem:$0x1FEA0] =	vst v62;
	v1 =	vsel vm9, $0x446D4000, v1;
	v0 =	vsel vm7, $0x4465C000, v0  }
0xa7: {  	v50 =	vor.u32 $0x42C00000, v59;
	[tilespmem:$0x1FEB0] =	vst v4;
	v1 =	vsel vm8, $0x446D8000, v1;
	v0 =	vsel vm6, $0x44660000, v0  }
0xa8: {  	v2 =	vsel vm13, $0x3F800000, v2;
	[tilespmem:$0x1FEC0] =	vst v6;
	v1 =	vsel vm7, $0x446DC000, v1;
	v0 =	vsel vm5, $0x44664000, v0  }
0xa9: {  	v2 =	vsel vm12, $0x40000000, v2;
	[tilespmem:$0x1FED0] =	vst v7;
	v1 =	vsel vm6, $0x446E0000, v1;
	v0 =	vsel vm4, $0x44668000, v0  }
0xaa: {  	v2 =	vsel vm11, $0x40400000, v2;
	[tilespmem:$0x1FEF0] =	vst v8;
	v1 =	vsel vm5, $0x446E4000, v1;
	v0 =	vsel vm3, $0x4466C000, v0  }
0xab: {  	v2 =	vsel vm10, $0x40800000, v2;
	[tilespmem:$0x1FF00] =	vst v10;
	v1 =	vsel vm4, $0x446E8000, v1;
	v0 =	vsel vm2, $0x44670000, v0  }
0xac: {  	v13 =	vsel vm1, $0x44478000, v16;
	[tilespmem:$0x1FF10] =	vst v9;
	v51 =	vsel vm3, $0x446EC000, v1;
	v0 =	vsel vm0, $0x44674000, v0  }
0xad: {  	v18 =	vsel vm1, $0x445F8000, v44;
	[tilespmem:$0x1FF20] =	vst v13;
	v49 =	vsel vm1, $0x44678000, v0;
	v0 =	vsel vm2, $0x446F0000, v51  }
0xae: {  	v2 =	vsel vm9, $0x40A00000, v2;
	v16 =	vimm.f32 $9.910000000e+02;
	[tilespmem:$0x1FF50] =	vst v18;
	v0 =	vsel vm0, $0x446F4000, v0  }
0xaf: {  	v2 =	vsel vm8, $0x40C00000, v2;
	[tilespmem:$0x1FF70] =	vst v52;
	v11 =	vsel vm1, $0x446F8000, v0;
	v0 =	vsel vm14, $0x44740000, v16  }
0xb0: {  	v45 =	vor.u32 $0x43E00000, v15;
	v2 =	vsel vm7, $0x40E00000, v2;
	[tilespmem:$0x1FF80] =	vst v53;
	v0 =	vsel vm13, $0x44744000, v0  }
0xb1: {  	v2 =	vsel vm6, $0x41000000, v2;
	v56 =	vor.u32 $0x44100000, v34;
	[tilespmem:$0x1FF90] =	vst v22;
	v0 =	vsel vm12, $0x44748000, v0  }
0xb2: {  	v2 =	vsel vm5, $0x41100000, v2;
	v55 =	vor.u32 $0x44080000, v34;
	[tilespmem:$0x1FFA0] =	vst v56;
	v0 =	vsel vm11, $0x4474C000, v0  }
0xb3: {  	v19 =	vimm.s32 $0xFEDCBA98;
	v54 =	vsel vm4, $0x41200000, v2;
	[tilespmem:$0x1FFB0] =	vst v55;
	v0 =	vsel vm10, $0x44750000, v0  }
0xb4: {  	v57 =	vor.u32 $0x44180000, v34;
	v3 =	vor.u32 $0x44480000, v34;
	[tilespmem:$0x1FFD0] =	vst v23;
	v0 =	vsel vm9, $0x44754000, v0  }
0xb5: {  	v59 =	vor.u32 $0x44200000, v34;
	[tilespmem:$0x1FE70] =	vst v3;
	v3 =	vor.u32 $0x44500000, v34;
	v0 =	vsel vm8, $0x44758000, v0  }
0xb6: {  	v63 =	vor.u32 $0x44300000, v34;
	[tilespmem:$0x1FE80] =	vst v3;
	v3 =	vor.u32 $0x44580000, v34;
	v0 =	vsel vm7, $0x4475C000, v0  }
0xb7: {  	[tilespmem:$0x1FFE0] =	vst v63;
	v1 =	vsel vm3, $0x41300000, v54;
	v54 =	vimm.s32 $0x76543210;
	v0 =	vsel vm6, $0x44760000, v0  }
0xb8: {  	[tilespmem:$0x1FE90] =	vst v3;
	v1 =	vsel vm2, $0x41400000, v1;
	v33 =	vor.u32 $0x44000000, v34;
	v0 =	vsel vm5, $0x44764000, v0  }
0xb9: {  	s2 =	srdreg.scid;
	v58 =	vsel vm0, $0x41500000, v1;
	v1 =	vunpack.c.l.s4.s8 v19;
	[tilespmem:$0x1FF30] =	vst v14;
	v0 =	vsel vm4, $0x44768000, v0  }
0xba: {  	s8 =	simm.s32 $0x4000;
	s5 =	sand.u32 $0x1, s2;
	v60 =	vor.u32 $0x44280000, v34;
	v2 =	vunpack.c.l.s4.s8 v54;
	[tilespmem:$0x1FFC0] =	vst v33;
	v0 =	vsel vm3, $0x4476C000, v0  }
0xbb: {  	s9 =	simm.s32 $0x0;
	s3 =	sadd.s32 $0x200A00, s4;
	s6 =	ssub.s32 $0x2, s5;
	v44 =	vor.u32 $0x43000000, v12;
	v1 =	vunpack.c.0.s8.s32 v1;
	[tilespmem:$0x1FF40] =	vst v17;
	v0 =	vsel vm2, $0x44770000, v0  }
0xbc: {  	s2 =	stileid.u32;
	s4 =	sadd.s32 $0x280A00, s4;
	s7 =	sshrl.u32 s6, $0x1;
	v48 =	vsel vm1, $0x41600000, v58;
	v2 =	vunpack.c.0.s8.s32 v2;
	[tilespmem:$0x1FF60] =	vst v49;
	v0 =	vsel vm0, $0x44774000, v0  }
0xbd: {  	s31 =	sshll.u32 s2, $0x8;
	s5 =	sshll.u32 s5, $0x7;
	s6 =	ssub.s32 s6, s7;
	v58 =	vor.u32 $0x43D00000, v15;
	v1 =	vand.u32 $0xF, v1;
	[tilespmem:$0x1FEE0] =	vst v11;
	v5 =	vsel vm1, $0x44778000, v0  }
0xbe: {  	s5 =	sor.u32 s5, s31;
	s7 =	simm.s32 $0x1;
	s6 =	smax.u32 s6, $0x1;
	v54 =	vcombine.low v1, v2;
	v51 =	vor.u32 $0x43F00000, v15;
	vm0 =	vmmov $0xff;
	[tilespmem:$0x1FFF0] =	vst v5  }
.LBB2_1:
0xbf: {  	s10 =	simm.s32 $0x0  }
.LBB2_2:
0xc0: {  	s11 =	sshll.u32 s10, $0x4  }
0xc1: {  	s11 =	sadd.s32 s5, s11  }
0xc2: {  	s12 =	sshll.u32 s11, $0x7  }
0xc3: {  	s13 =	sadd.s32 s3, s12;
	s12 =	simm.s32 $0x0  }
0xc4: {  	[tilespmem:s12], [sflag:$0x1] =	stream.linear.gather [hbm4b:s13+s12], $0x4000, $0x38;
	[tilespmem:$0x4800] =	vst v63  }
0xc5: {  	_ =	swait.ge [sflag:s7], $0x4000  }
0xc6: {  	s14 =	simm.s32 $0xFFFFC000;
	s15 =	simm.s32 $0x0;
	[sflag:s7] =	ssyncset.done $0x0  }
0xc7: {  	s16 =	simm.s32 $0x0;
	s13 =	simm.s32 $0x4020;
	[sflag:s7] =	ssyncadd.s32 $0xFFFFC000  }
.LBB2_3:
0xc8: {  	s17 =	sadd.s32 $0x4000, s14  }
0xc9: {  	s18 =	sand.u32 $0x380, s16;
	s17 =	sand.u32 $0x2000, s17  }
0xca: {  	s17 =	sor.u32 s18, s17  }
0xcb: {  	v13 =	vld [tilespmem:s17+$0x0]  }
0xcc: {  	v0 =	vld [tilespmem:s17+$0x10];
	_ =	sdelay $0x2  }
0xcd: {  	v63 =	vld [tilespmem:s17+$0x30]  }
0xce: {  	v14 =	vld [tilespmem:s17+$0x20];
	v1 =	vmul.f32 $1.442695020e+00, v13  }
0xcf: {  	v15 =	vld [tilespmem:s17+$0x40];
	v62 =	vmul.f32 $1.442695020e+00, v0;
	vm1 =	vlt.f32 v13, $-Inf;
	vm2 =	vgt.f32 v13, $-Inf  }
0xd0: {  	v2 =	vld [tilespmem:s17+$0x50];
	vm3 =	vlt.f32 v0, $-Inf;
	vm4 =	vgt.f32 v0, $-Inf;
	(erf) = vpow2.f32 v1  }
0xd1: {  	v16 =	vld [tilespmem:s17+$0x60];
	vm1 =	vmor vm2, vm1;
	vm2 =	vmor vm4, vm3;
	(erf) = vpow2.f32 v62  }
0xd2: {  	v3 =	vnsel vm2, $0x0, v4;
	vm2 =	vgt.f32 v63, v0  }
0xd3: {  	v3 =	vsel vm2, v6, v3;
	v6 =	vld [tilespmem:s17+$0x70]  }
0xd4: {  	v62 =	vld [tilespmem:s17+$0x410]  }
0xd5: {  	v5 =	vmul.f32 $1.442695020e+00, v14;
	v0 =	vmax.f32 v0, v63  }
0xd6: {  	v20 =	vld [tilespmem:s17+$0x430];
	v33 =	vmul.f32 $1.442695020e+00, v15;
	v49 =	vmul.f32 $1.442695020e+00, v16;
	vm2 =	vgt.f32 v2, v0  }
0xd7: {  	v53 =	vmovc v21;
	v21 =	vld [tilespmem:s17+$0x450];
	v0 =	vmax.f32 v0, v2;
	(erf) = vpow2.f32 v5;
	v3 =	vsel vm2, v7, v3  }
0xd8: {  	v56 =	vmovc v58;
	vm2 =	vgt.f32 v6, v0;
	v0 =	vmax.f32 v0, v6;
	v58 =	vmul.f32 $1.442695020e+00, v6  }
0xd9: {  	v22 =	vld [tilespmem:s17+$0x470];
	v3 =	vsel vm2, v8, v3;
	vm2 =	vgt.f32 v62, v0;
	v0 =	vmax.f32 v0, v62;
	v4 =	vpop (erf)  }
0xda: {  	v23 =	vld [tilespmem:s17+$0x810];
	v17 =	vadd.f32 $0.0e+00, v4;
	v4 =	vmul.f32 $1.442695020e+00, v63;
	v5 =	vpop (erf);
	v63 =	vsel vm2, v9, v3  }
0xdb: {  	v12 =	vld [tilespmem:s17+$0x830];
	vm2 =	vgt.f32 v20, v0;
	v0 =	vmax.f32 v0, v20;
	v19 =	vadd.f32 $0.0e+00, v5  }
0xdc: {  	v1 =	vsel vm2, v10, v63;
	vm2 =	vgt.f32 v21, v0;
	v0 =	vmax.f32 v0, v21  }
0xdd: {  	v11 =	vld [tilespmem:s17+$0x850];
	(erf) = vpow2.f32 v4;
	v4 =	vmul.f32 $1.442695020e+00, v2;
	v1 =	vsel vm2, v25, v1  }
0xde: {  	v10 =	vld [tilespmem:s17+$0x870];
	vm2 =	vgt.f32 v22, v0;
	v0 =	vmax.f32 v0, v22;
	(erf) = vpow2.f32 v33  }
0xdf: {  	v9 =	vld [tilespmem:s17+$0xC10];
	v1 =	vsel vm2, v26, v1;
	vm2 =	vgt.f32 v23, v0;
	v0 =	vmax.f32 v0, v23  }
0xe0: {  	v8 =	vld [tilespmem:s17+$0xC30];
	(erf) = vpow2.f32 v4;
	v1 =	vsel vm2, v27, v1;
	vm2 =	vgt.f32 v12, v0  }
0xe1: {  	v7 =	vld [tilespmem:s17+$0xC50];
	v0 =	vmax.f32 v0, v12;
	(erf) = vpow2.f32 v49;
	v1 =	vsel vm2, v28, v1  }
0xe2: {  	v6 =	vld [tilespmem:s17+$0xC70];
	vm2 =	vgt.f32 v11, v0;
	v0 =	vmax.f32 v0, v11;
	(erf) = vpow2.f32 v58  }
0xe3: {  	v5 =	vld [tilespmem:s17+$0x1010];
	v1 =	vsel vm2, v35, v1;
	vm2 =	vgt.f32 v10, v0;
	v0 =	vmax.f32 v0, v10;
	v58 =	vmovc v57  }
0xe4: {  	v4 =	vld [tilespmem:s17+$0x1030];
	v57 =	vmovc v51;
	v1 =	vsel vm2, v36, v1;
	vm2 =	vgt.f32 v9, v0;
	v0 =	vmax.f32 v0, v9  }
0xe5: {  	v3 =	vld [tilespmem:s17+$0x1050];
	v51 =	vmovc v43;
	v1 =	vsel vm2, v37, v1;
	vm2 =	vgt.f32 v8, v0;
	v0 =	vmax.f32 v0, v8  }
0xe6: {  	v2 =	vld [tilespmem:s17+$0x1070];
	v43 =	vmovc v39;
	v1 =	vsel vm2, v38, v1;
	vm2 =	vgt.f32 v7, v0;
	v0 =	vmax.f32 v0, v7  }
0xe7: {  	v63 =	vsel vm2, v39, v1;
	vm2 =	vgt.f32 v6, v0;
	v0 =	vmax.f32 v0, v6;
	v39 =	vmovc v35  }
0xe8: {  	v35 =	vmovc v25;
	v25 =	vsel vm2, v40, v63;
	vm2 =	vgt.f32 v5, v0;
	v0 =	vmax.f32 v0, v5  }
0xe9: {  	v1 =	vld [tilespmem:s17+$0x1410];
	v25 =	vsel vm2, v41, v25;
	vm2 =	vgt.f32 v4, v0;
	v0 =	vmax.f32 v0, v4  }
0xea: {  	v25 =	vsel vm2, v42, v25;
	vm2 =	vgt.f32 v3, v0;
	v0 =	vmax.f32 v0, v3  }
0xeb: {  	v25 =	vsel vm2, v46, v25;
	vm2 =	vgt.f32 v2, v0;
	v0 =	vmax.f32 v0, v2;
	_ =	sdelay $0x1  }
0xec: {  	v18 =	vld [tilespmem:s17+$0x400];
	v33 =	vmovc v59;
	v59 =	vmovc v45;
	v45 =	vmov v40;
	v40 =	vmov v36;
	v25 =	vsel vm2, v47, v25  }
0xed: {  	v36 =	vmovc v26;
	vm2 =	vgt.f32 v1, v0;
	v52 =	vmax.f32 v0, v1;
	v0 =	vmovc v60;
	v60 =	vmov v30  }
0xee: {  	v26 =	vld [tilespmem:s17+$0x420];
	v30 =	vmovc v29;
	v29 =	vmovc v44;
	v44 =	vmov v50;
	v50 =	vmov v61;
	v61 =	vmov v48  }
0xef: {  	v48 =	vmovc v46;
	v46 =	vmovc v41;
	v41 =	vmov v37;
	v37 =	vmov v27;
	v27 =	vmul.f32 $1.442695020e+00, v62;
	v62 =	vld [tilespmem:$0x1FE30]  }
0xf0: {  	v55 =	vmov v32  }
0xf1: {  	v32 =	vmovc v34;
	v34 =	vmovc v31;
	v31 =	vmov v24;
	v24 =	vmul.f32 $1.442695020e+00, v18;
	v20 =	vmul.f32 $1.442695020e+00, v20  }
0xf2: {  	v23 =	vmul.f32 $1.442695020e+00, v23;
	v12 =	vmul.f32 $1.442695020e+00, v12  }
0xf3: {  	v11 =	vmul.f32 $1.442695020e+00, v11;
	v10 =	vmul.f32 $1.442695020e+00, v10;
	v63 =	vld [tilespmem:s17+$0x1430]  }
0xf4: {  	(erf) = vpow2.f32 v24;
	v24 =	vmul.f32 $1.442695020e+00, v26;
	v25 =	vsel vm2, v62, v25;
	v62 =	vld [tilespmem:$0x1FE40]  }
0xf5: {  	v49 =	vmovc v38;
	v9 =	vmul.f32 $1.442695020e+00, v9;
	v38 =	vmov v28;
	v28 =	vld [tilespmem:s17+$0x440];
	(erf) = vpow2.f32 v27  }
0xf6: {  	v8 =	vmul.f32 $1.442695020e+00, v8;
	(erf) = vpow2.f32 v24;
	v27 =	vmovc v37;
	v37 =	vmovc v41;
	v41 =	vmov v46  }
0xf7: {  	v46 =	vmovc v48;
	v48 =	vmovc v61;
	v61 =	vmov v50;
	v50 =	vmov v44;
	v44 =	vmov v29  }
0xf8: {  	v29 =	vmovc v30;
	v30 =	vmovc v60;
	v60 =	vmov v0;
	(erf) = vpow2.f32 v20;
	vm2 =	vgt.f32 v63, v52  }
0xf9: {  	v20 =	vnsel vm1, $0x0, v48;
	v62 =	vsel vm2, v62, v25;
	vm2 =	vgt.f32 v14, v13;
	v25 =	vpop (erf)  }
0xfa: {  	v24 =	vld [tilespmem:s17+$0x460];
	v13 =	vmax.f32 v13, v14;
	v14 =	vadd.f32 v25, v17;
	v0 =	vpop (erf);
	v25 =	vmul.f32 $1.442695020e+00, v28  }
0xfb: {  	vm1 =	vgt.f32 v15, v13;
	v13 =	vmax.f32 v13, v15;
	v17 =	vadd.f32 v0, v19;
	v19 =	vpop (erf)  }
0xfc: {  	v0 =	vpop (erf);
	v14 =	vadd.f32 v19, v14;
	v19 =	vsel vm2, v61, v20;
	vm2 =	vgt.f32 v16, v13  }
0xfd: {  	v13 =	vmax.f32 v13, v16;
	v15 =	vadd.f32 v0, v17;
	v17 =	vmul.f32 $1.442695020e+00, v21;
	v20 =	vpop (erf)  }
0xfe: {  	(erf) = vpow2.f32 v25;
	v25 =	vmovc v35;
	v35 =	vmovc v39;
	v39 =	vmov v43;
	v43 =	vmov v51  }
0xff: {  	v21 =	vld [tilespmem:s17+$0x800];
	v51 =	vmov v57;
	v57 =	vmov v58;
	v0 =	vpop (erf);
	v58 =	vmul.f32 $1.442695020e+00, v24  }
0x100: {  	v14 =	vadd.f32 v20, v14;
	(erf) = vpow2.f32 v17;
	v15 =	vadd.f32 v0, v15  }
0x101: {  	v0 =	vmul.f32 $1.442695020e+00, v22;
	v19 =	vsel vm1, v43, v19;
	vm1 =	vgt.f32 v18, v13;
	v20 =	vpop (erf);
	v17 =	vld [tilespmem:s17+$0x820]  }
0x102: {  	v13 =	vmax.f32 v13, v18;
	(erf) = vpow2.f32 v58;
	v14 =	vadd.f32 v20, v14  }
0x103: {  	v20 =	vld [tilespmem:s17+$0x840];
	v19 =	vsel vm2, v50, v19;
	vm2 =	vgt.f32 v26, v13;
	v13 =	vmax.f32 v13, v26;
	v26 =	vmovc v36  }
0x104: {  	v36 =	vmovc v40;
	v40 =	vmovc v45;
	(erf) = vpow2.f32 v0;
	v19 =	vsel vm1, v44, v19;
	v0 =	vmul.f32 $1.442695020e+00, v21  }
0x105: {  	vm1 =	vgt.f32 v28, v13;
	v13 =	vmax.f32 v13, v28;
	v28 =	vmov v38;
	v58 =	vpop (erf)  }
0x106: {  	v18 =	vld [tilespmem:s17+$0x860];
	v38 =	vmov v49;
	v16 =	vpop (erf);
	(erf) = vpow2.f32 v0;
	v0 =	vmul.f32 $1.442695020e+00, v17  }
0x107: {  	v49 =	vsel vm2, v29, v19;
	v15 =	vadd.f32 v58, v15;
	v22 =	vpop (erf);
	(erf) = vpow2.f32 v23  }
0x108: {  	v45 =	vmovc v59;
	v59 =	vmovc v33;
	v14 =	vadd.f32 v16, v14;
	v33 =	vmul.f32 $1.442695020e+00, v20;
	v23 =	vld [tilespmem:s17+$0xC00];
	(erf) = vpow2.f32 v0  }
0x109: {  	vm2 =	vgt.f32 v24, v13;
	v15 =	vadd.f32 v22, v15;
	v22 =	vpop (erf);
	(erf) = vpow2.f32 v12  }
0x10a: {  	v13 =	vmax.f32 v13, v24;
	v14 =	vadd.f32 v22, v14;
	v22 =	vpop (erf);
	(erf) = vpow2.f32 v33  }
0x10b: {  	v24 =	vmovc v31;
	v15 =	vadd.f32 v22, v15;
	(erf) = vpow2.f32 v11;
	v11 =	vmul.f32 $1.442695020e+00, v18;
	v22 =	vld [tilespmem:s17+$0xC20]  }
0x10c: {  	v12 =	vsel vm1, v24, v49;
	vm1 =	vgt.f32 v21, v13;
	v13 =	vmax.f32 v13, v21  }
0x10d: {  	v12 =	vsel vm2, v53, v12;
	v58 =	vpop (erf);
	(erf) = vpow2.f32 v11;
	v11 =	vmul.f32 $1.442695020e+00, v23  }
0x10e: {  	vm2 =	vgt.f32 v17, v13;
	v0 =	vpop (erf);
	v14 =	vadd.f32 v58, v14;
	(erf) = vpow2.f32 v10  }
0x10f: {  	v13 =	vmax.f32 v13, v17;
	v15 =	vadd.f32 v0, v15;
	v10 =	vpop (erf);
	(erf) = vpow2.f32 v11;
	v11 =	vld [tilespmem:s17+$0xC40]  }
0x110: {  	v10 =	vadd.f32 v10, v14;
	v16 =	vpop (erf);
	(erf) = vpow2.f32 v9;
	v9 =	vmul.f32 $1.442695020e+00, v22  }
0x111: {  	v7 =	vmul.f32 $1.442695020e+00, v7;
	v21 =	vmov v53;
	v53 =	vmax.f32 v13, v20;
	v19 =	vpop (erf)  }
0x112: {  	v14 =	vadd.f32 v16, v15;
	v10 =	vadd.f32 v19, v10;
	v33 =	vpop (erf);
	(erf) = vpow2.f32 v9  }
0x113: {  	v31 =	vmovc v34;
	v58 =	vmovc v56;
	(erf) = vpow2.f32 v8;
	v8 =	vsel vm1, v30, v12;
	vm1 =	vgt.f32 v20, v13  }
0x114: {  	v16 =	vld [tilespmem:s17+$0xC60];
	v49 =	vpop (erf);
	v12 =	vmax.f32 v53, v18;
	v0 =	vmul.f32 $1.442695020e+00, v11;
	v8 =	vsel vm2, v31, v8  }
0x115: {  	v56 =	vpop (erf);
	v8 =	vsel vm1, v55, v8;
	vm1 =	vgt.f32 v23, v12;
	v12 =	vmax.f32 v12, v23;
	v23 =	vld [tilespmem:$0x1FFD0]  }
0x116: {  	v6 =	vmul.f32 $1.442695020e+00, v6;
	v19 =	vpop (erf);
	(erf) = vpow2.f32 v0  }
0x117: {  	v9 =	vadd.f32 v33, v14;
	v10 =	vadd.f32 v49, v10;
	v33 =	vpop (erf);
	(erf) = vpow2.f32 v7;
	v7 =	vld [tilespmem:s17+$0x1000]  }
0x118: {  	v5 =	vmul.f32 $1.442695020e+00, v5;
	v4 =	vmul.f32 $1.442695020e+00, v4;
	vm2 =	vgt.f32 v18, v53  }
0x119: {  	v15 =	vld [tilespmem:s17+$0x1020];
	v9 =	vadd.f32 v56, v9;
	v0 =	vmul.f32 $1.442695020e+00, v16;
	v10 =	vadd.f32 v19, v10  }
0x11a: {  	v49 =	vpop (erf);
	v8 =	vsel vm2, v23, v8;
	vm2 =	vgt.f32 v22, v12;
	v12 =	vmax.f32 v12, v22;
	v22 =	vld [tilespmem:$0x1FF90]  }
0x11b: {  	v3 =	vmul.f32 $1.442695020e+00, v3;
	v18 =	vld [tilespmem:s17+$0x1040];
	v9 =	vadd.f32 v33, v9;
	v53 =	vpop (erf);
	(erf) = vpow2.f32 v0  }
0x11c: {  	v10 =	vadd.f32 v49, v10;
	(erf) = vpow2.f32 v6;
	v6 =	vmul.f32 $1.442695020e+00, v7  }
0x11d: {  	v2 =	vmul.f32 $1.442695020e+00, v2;
	v1 =	vmul.f32 $1.442695020e+00, v1;
	v49 =	vld [tilespmem:s17+$0x1060];
	v9 =	vadd.f32 v53, v9;
	v17 =	vpop (erf)  }
0x11e: {  	v10 =	vadd.f32 v17, v10;
	v19 =	vpop (erf);
	(erf) = vpow2.f32 v6;
	v6 =	vmul.f32 $1.442695020e+00, v15  }
0x11f: {  	v9 =	vadd.f32 v19, v9;
	v8 =	vsel vm1, v22, v8;
	v53 =	vpop (erf);
	(erf) = vpow2.f32 v5;
	v5 =	vld [tilespmem:s17+$0x1400]  }
0x120: {  	vm1 =	vgt.f32 v11, v12;
	v0 =	vpop (erf);
	(erf) = vpow2.f32 v6;
	v6 =	vmul.f32 $1.442695020e+00, v18  }
0x121: {  	v11 =	vmax.f32 v12, v11;
	v10 =	vadd.f32 v53, v10;
	(erf) = vpow2.f32 v4;
	v4 =	vld [tilespmem:s17+$0x1420]  }
0x122: {  	v8 =	vsel vm2, v58, v8;
	(erf) = vpow2.f32 v6;
	v6 =	vmul.f32 $1.442695020e+00, v49  }
0x123: {  	vm2 =	vgt.f32 v16, v11;
	v9 =	vadd.f32 v0, v9;
	(erf) = vpow2.f32 v3  }
0x124: {  	v34 =	vmovc v32;
	v32 =	vmovc v55;
	v8 =	vsel vm1, v45, v8;
	(erf) = vpow2.f32 v6;
	v6 =	vmul.f32 $1.442695020e+00, v5  }
0x125: {  	v33 =	vld [tilespmem:$0x1FFC0];
	v8 =	vsel vm2, v51, v8;
	v3 =	vmax.f32 v11, v16;
	v11 =	vpop (erf);
	(erf) = vpow2.f32 v2  }
0x126: {  	v12 =	vld [tilespmem:s17+$0x1440];
	v10 =	vadd.f32 v11, v10;
	v11 =	vpop (erf);
	(erf) = vpow2.f32 v6;
	v6 =	vmul.f32 $1.442695020e+00, v4  }
0x127: {  	v16 =	vmul.f32 $1.442695020e+00, v63;
	v9 =	vadd.f32 v11, v9;
	v11 =	vpop (erf);
	(erf) = vpow2.f32 v1  }
0x128: {  	v55 =	vld [tilespmem:$0x1FFB0];
	vm1 =	vgt.f32 v7, v3;
	v10 =	vadd.f32 v11, v10;
	v11 =	vpop (erf);
	(erf) = vpow2.f32 v6  }
0x129: {  	v56 =	vld [tilespmem:$0x1FFA0];
	v3 =	vmax.f32 v3, v7;
	v6 =	vadd.f32 v11, v9;
	v7 =	vpop (erf);
	(erf) = vpow2.f32 v16  }
0x12a: {  	vm2 =	vgt.f32 v15, v3;
	v3 =	vmax.f32 v3, v15;
	v17 =	vadd.f32 v7, v10;
	v7 =	vpop (erf)  }
0x12b: {  	v8 =	vsel vm1, v33, v8;
	v9 =	vmul.f32 $1.442695020e+00, v12;
	v6 =	vadd.f32 v7, v6;
	v7 =	vpop (erf)  }
0x12c: {  	vm1 =	vgt.f32 v18, v3;
	v3 =	vmax.f32 v3, v18;
	v1 =	vadd.f32 v7, v17;
	v7 =	vpop (erf)  }
0x12d: {  	v8 =	vsel vm2, v55, v8;
	(erf) = vpow2.f32 v9;
	v9 =	vld [tilespmem:s17+$0x1450];
	v6 =	vadd.f32 v7, v6;
	v7 =	vpop (erf)  }
0x12e: {  	v18 =	vmax.f32 v52, v63;
	v8 =	vsel vm1, v56, v8;
	v1 =	vadd.f32 v7, v1;
	v7 =	vpop (erf)  }
0x12f: {  	v19 =	vld [tilespmem:$0x1FFE0];
	vm2 =	vgt.f32 v49, v3;
	v3 =	vmax.f32 v3, v49;
	v6 =	vadd.f32 v7, v6;
	v7 =	vpop (erf)  }
0x130: {  	vm1 =	vgt.f32 v5, v3;
	v3 =	vmax.f32 v3, v5;
	v1 =	vadd.f32 v7, v1;
	v5 =	vpop (erf);
	v7 =	vld [tilespmem:s17+$0x1460]  }
0x131: {  	v33 =	vld [tilespmem:s17+$0x1820];
	v5 =	vadd.f32 v5, v6;
	v6 =	vsel vm2, v57, v8;
	vm2 =	vgt.f32 v4, v3;
	v8 =	vpop (erf)  }
0x132: {  	v52 =	vld [tilespmem:$0x1FE70];
	v3 =	vmax.f32 v3, v4;
	v0 =	vmax.f32 v18, v9;
	v1 =	vadd.f32 v8, v1;
	v4 =	vpop (erf)  }
0x133: {  	v10 =	vld [tilespmem:s17+$0x1470];
	v8 =	vmul.f32 $1.442695020e+00, v9;
	v4 =	vadd.f32 v4, v5;
	v5 =	vsel vm1, v59, v6  }
0x134: {  	v2 =	vmax.f32 v3, v12;
	v6 =	vld [tilespmem:s17+$0x1800];
	vm1 =	vgt.f32 v9, v18;
	v5 =	vsel vm2, v60, v5  }
0x135: {  	v9 =	vmul.f32 $1.442695020e+00, v7;
	vm2 =	vgt.f32 v7, v2;
	v2 =	vmax.f32 v2, v7;
	v7 =	vld [tilespmem:$0x1FE50]  }
0x136: {  	v11 =	vld [tilespmem:s17+$0x1810]  }
0x137: {  	s24 =	sand.u32 $0x7, s12;
	v49 =	vld [tilespmem:$0x1FE60];
	vm3 =	vgt.f32 v12, v3;
	v3 =	vpop (erf)  }
0x138: {  	s18 =	sshll.u32 s24, $0x7;
	(erf) = vpow2.f32 v8;
	v8 =	vld [tilespmem:s17+$0x1830];
	v1 =	vadd.f32 v3, v1;
	v3 =	vmul.f32 $1.442695020e+00, v10  }
0x139: {  	s18 =	sadd.s32 s18, s15;
	v5 =	vsel vm3, v19, v5;
	(erf) = vpow2.f32 v9;
	v9 =	vld [tilespmem:s17+$0x1840]  }
0x13a: {  	s19 =	sor.u32 $0x1C00, s18;
	(erf) = vpow2.f32 v3;
	v3 =	vmul.f32 $1.442695020e+00, v6;
	v5 =	vsel vm2, v7, v5  }
0x13b: {  	s25 =	sor.u32 $0x1C20, s18;
	v13 =	vld [tilespmem:s19+$0x0];
	vm2 =	vgt.f32 v6, v2;
	v7 =	vmul.f32 $1.442695020e+00, v11;
	v2 =	vmax.f32 v2, v6  }
0x13c: {  	s31 =	sor.u32 $0x1C30, s18;
	v14 =	vld [tilespmem:s25+$0x0];
	(erf) = vpow2.f32 v3;
	v3 =	vmul.f32 $1.442695020e+00, v33;
	v5 =	vsel vm2, v49, v5  }
0x13d: {  	v16 =	vld [tilespmem:s31+$0x0];
	vm2 =	vgt.f32 v33, v2;
	v2 =	vmax.f32 v2, v33;
	(erf) = vpow2.f32 v7  }
0x13e: {  	v6 =	vld [tilespmem:s17+$0x1860];
	v7 =	vmul.f32 $1.442695020e+00, v8;
	v5 =	vsel vm2, v52, v5;
	vm2 =	vgt.f32 v9, v2  }
0x13f: {  	v2 =	vmax.f32 v2, v9;
	(erf) = vpow2.f32 v3;
	v3 =	vmul.f32 $1.442695020e+00, v9;
	v9 =	vld [tilespmem:$0x1FE80]  }
0x140: {  	v53 =	vld [tilespmem:$0x1FE90]  }
0x141: {  	(erf) = vpow2.f32 v7;
	v7 =	vld [tilespmem:s17+$0x1850]  }
0x142: {  	s26 =	sor.u32 $0x1C40, s18;
	v20 =	vadd.s32 $0x44760000, v34;
	v55 =	vld [tilespmem:$0x1FEA0];
	v56 =	vor.u32 $0x44680000, v34;
	v33 =	vor.u32 $0x44700000, v34;
	v49 =	vpop (erf)  }
0x143: {  	s29 =	sor.u32 $0x1C60, s18;
	v4 =	vadd.f32 v49, v4;
	v49 =	vmul.f32 $1.442695020e+00, v16;
	(erf) = vpow2.f32 v3;
	v3 =	vld [tilespmem:s26+$0x0]  }
0x144: {  	s28 =	sor.u32 $0x1C50, s18;
	v15 =	vld.msk [tilespmem:s29+$0x0], $0xff;
	v5 =	vsel vm2, v9, v5;
	vm2 =	vgt.f32 v6, v2;
	v2 =	vmax.f32 v2, v6  }
0x145: {  	v12 =	vld [tilespmem:s28+$0x0];
	v6 =	vmul.f32 $1.442695020e+00, v6;
	v5 =	vsel vm2, v53, v5;
	vm2 =	vgt.f32 v13, v2  }
0x146: {  	s30 =	sor.u32 $0x1C10, s18;
	v9 =	vld [tilespmem:s17+$0x1870];
	v2 =	vmax.f32 v2, v13;
	v63 =	vmul.f32 $1.442695020e+00, v7;
	v53 =	vperm.xlane v20, v54  }
0x147: {  	v19 =	vld [tilespmem:s30+$0x0];
	v5 =	vsel vm2, v55, v5;
	vm2 =	vgt.f32 v14, v2;
	v2 =	vmax.f32 v2, v14  }
0x148: {  	v5 =	vsel vm2, v56, v5;
	vm2 =	vgt.f32 v3, v2;
	v2 =	vmax.f32 v2, v3  }
0x149: {  	(erf) = vpow2.f32 v63;
	v5 =	vsel vm2, v33, v5;
	v52 =	vperm.xlane v2, v54  }
0x14a: {  	(erf) = vpow2.f32 v6;
	v5 =	vperm.xlane v5, v54  }
0x14b: {  	v6 =	vmul.f32 $1.442695020e+00, v13;
	v55 =	vmul.f32 $1.442695020e+00, v9;
	vm2 =	vgt.f32 v12, v52  }
0x14c: {  	v63 =	vmul.f32 $1.442695020e+00, v19;
	v20 =	vsel vm2, v53, v5;
	vm2 =	vgt.f32 v15, v52  }
0x14d: {  	(erf) = vpow2.f32 v55;
	v5 =	vsel vm2, v53, v5;
	vm2 =	vgt.f32 v10, v0  }
0x14e: {  	v56 =	vpop (erf);
	v0 =	vmax.f32 v0, v10;
	(erf) = vpow2.f32 v6;
	v10 =	vmul.f32 $1.442695020e+00, v14  }
0x14f: {  	v3 =	vmul.f32 $1.442695020e+00, v3;
	v1 =	vadd.f32 v56, v1;
	v6 =	vpop (erf);
	(erf) = vpow2.f32 v63  }
0x150: {  	v33 =	vld [tilespmem:$0x1FF70];
	v53 =	vmul.f32 $1.442695020e+00, v12;
	v18 =	vpop (erf);
	(erf) = vpow2.f32 v10  }
0x151: {  	v4 =	vadd.f32 v6, v4;
	v6 =	vpop (erf);
	v1 =	vadd.f32 v18, v1;
	(erf) = vpow2.f32 v49  }
0x152: {  	v10 =	vpop (erf);
	(erf) = vpow2.f32 v3;
	v3 =	vmul.f32 $1.442695020e+00, v15  }
0x153: {  	v4 =	vadd.f32 v6, v4;
	v1 =	vadd.f32 v10, v1;
	v10 =	vld [tilespmem:$0x1FF80]  }
0x154: {  	v6 =	vpop (erf);
	(erf) = vpow2.f32 v53;
	v53 =	vld [tilespmem:$0x1FF20]  }
0x155: {  	v52 =	vld [tilespmem:$0x1FF30];
	v55 =	vsel vm1, v33, v62;
	v56 =	vpop (erf);
	v4 =	vadd.f32 v6, v4  }
0x156: {  	vm1 =	vgt.f32 v11, v0;
	v0 =	vmax.f32 v0, v11;
	(erf) = vpow2.f32 v3;
	v3 =	vpop (erf)  }
0x157: {  	v33 =	vld [tilespmem:$0x1FF40];
	v5 =	vperm.xlane v5, v54;
	v1 =	vadd.f32 v56, v1;
	v6 =	vpop (erf);
	v3 =	vadd.f32 v3, v4  }
0x158: {  	v10 =	vsel vm2, v10, v55;
	vm2 =	vgt.f32 v8, v0;
	v0 =	vmax.f32 v0, v8;
	v8 =	vpop (erf)  }
0x159: {  	v63 =	vld [tilespmem:$0x1FF50];
	v1 =	vadd.f32 v6, v1;
	v10 =	vsel vm1, v53, v10;
	v4 =	vpop (erf);
	v3 =	vadd.f32 v8, v3  }
0x15a: {  	vm1 =	vgt.f32 v7, v0;
	v0 =	vmax.f32 v0, v7;
	v6 =	vpop (erf);
	v7 =	vsel vm2, v52, v10  }
0x15b: {  	v62 =	vld [tilespmem:$0x1FF60];
	vm2 =	vgt.f32 v9, v0;
	v0 =	vmax.f32 v0, v9;
	v8 =	vpop (erf);
	v3 =	vadd.f32 v6, v3  }
0x15c: {  	v1 =	vadd.f32 v4, v1;
	v10 =	vperm.xlane v15, v54;
	v7 =	vsel vm1, v33, v7;
	v9 =	vpop (erf)  }
0x15d: {  	vm1 =	vgt.f32 v19, v0;
	v0 =	vmax.f32 v0, v19;
	v4 =	vpop (erf);
	v3 =	vadd.f32 v9, v3  }
0x15e: {  	v6 =	vperm.xlane v12, v54;
	v7 =	vsel vm2, v63, v7;
	vm2 =	vgt.f32 v16, v0;
	v11 =	vpop (erf)  }
0x15f: {  	v0 =	vmax.f32 v0, v16;
	v1 =	vadd.f32 v8, v1;
	v8 =	vpop (erf);
	v3 =	vadd.f32 v11, v3;
	v11 =	vld [tilespmem:$0x1FEE0]  }
0x160: {  	v55 =	vld [tilespmem:$0x1FFF0];
	v6 =	vsel vm0, v6, v10;
	v7 =	vsel vm1, v62, v7;
	v8 =	vperm.xlane v8, v54  }
0x161: {  	vm1 =	vgt.f32 v12, v0;
	v0 =	vmax.f32 v0, v12;
	v1 =	vadd.f32 v4, v1  }
0x162: {  	v2 =	vmax.f32 v2, v6;
	v4 =	vperm.xlane v20, v54;
	v6 =	vsel vm0, $0x0, v8  }
0x163: {  	p0 =	sne.s32 s16, $0x780;
	v9 =	vld [tilespmem:$0x1FF10];
	v1 =	vadd.f32 v6, v1;
	v6 =	vmax.f32 v2, v0  }
.Ltmp0:
0x164: {  	v10 =	vld [tilespmem:$0x1FF00];
	v4 =	vsel vm0, v4, v5;
	v5 =	vsel vm2, v11, v7;
	vm2 =	veq.f32 v2, v6;
	(pc) =	sbr.rel @p0 .LBB2_3-.Ltmp0, $4  }
0x165: {  	v8 =	vld [tilespmem:$0x1FEF0];
	v2 =	vsel vm1, v55, v5;
	vm1 =	veq.f32 v0, v6;
	v56 =	vadd.f32 v1, v3  }
0x166: {  	v7 =	vld [tilespmem:$0x1FED0];
	[tilespmem:s13+$0xFFFFFFE0] =	vst v6;
	v62 =	vnsel vm2, $0x4E6E6B28, v4;
	v2 =	vnsel vm1, $0x4E6E6B28, v2  }
0x167: {  	s12 =	sadd.s32 $0x1, s12;
	s14 =	sadd.s32 $0x400, s14;
	v4 =	vld [tilespmem:$0x1FEB0];
	[tilespmem:s13+$0xFFFFFFF0] =	vst v56;
	v63 =	vmin.f32 v62, v2  }
0x168: {  	s16 =	sadd.s32 $0x80, s16;
	s15 =	sadd.s32 $0x400, s15;
	v6 =	vld [tilespmem:$0x1FEC0];
	[tilespmem:s13+$0x0] =	vst v63;
	s13 =	sadd.s32 $0x80, s13  }
0x169: {  	s10 =	sadd.s32 $0x1, s10  }
0x16a: {  	s11 =	sshll.u32 s11, $0x4;
	p0 =	sne.s32 s10, $0x8  }
.Ltmp1:
0x16b: {  	s11 =	sadd.s32 s4, s11;
	(pc) =	sbr.rel @p0 .LBB2_2-.Ltmp1, $4  }
0x16c: {  	[hbm4b:s11+s1] =	stream.linear.scatter [tilespmem:s8], [sflag:$0x1], $0x800, $0x38;
	[tilespmem:$0x4800] =	vst v63  }
0x16d: {  	_ =	swait.ge [sflag:s7], $0x800  }
0x16e: {  	[sflag:s7] =	ssyncset.done $0x0  }
0x16f: {  	[sflag:s7] =	ssyncadd.s32 $0xFFFFF800  }
0x170: {  	s9 =	sadd.s32 $0x1, s9  }
0x171: {  	p0 =	sne.s32 s9, s6  }
.Ltmp2:
0x172: {  	_ = 	snop;
	(pc) =	sbr.rel @p0 .LBB2_1-.Ltmp2, $1  }
0x173: {  	_ =	sdelay $0x3  }
0x174: {  	_ =	sfence.sel $0x180000  }
0x175: {  	[bflag:$0x0] =	sbarrier.arrive $0xFFFF  }
0x176: {  	p0 =	sne.s32 s2, $0x0;
	_ =	strace $0x90000047  }
0x177: {  	s0 =	sadd.s32 @!p0 $0x100000, s0;
	[bflag:$0x2] =	sbarrier.arrive $0xFFFF  }
0x178: {  	[sflag:s0] =	ssyncadd.tile.s32 @!p0 $0x1;
	_ =	shalt  }
.Lfunc_end2:
_tile_overlayer_lowered:
.L_overlay_start_2:
0x179: {  	(tag) =	ssettag $0x2  }
0x17a: {  	s0 =	rddreg [dreg:$0x0];
	s2 =	stileid.u32  }
0x17b: {  	s1 =	rddreg [dreg:$0x1];
	p0 =	sne.s32 s2, $0x0  }
0x17c: {  	s3 =	rddreg [dreg:$0x2];
	[bflag:$0x3] =	sbarrier.arrive $0xFFFF;
	s2 =	simm.s32 @!p0 $0x1C01  }
0x17d: {  	[timem:s3], [sflag:s2] =	dma.local @!p0 [hbm:s0], s1  }
0x17e: {  	s0 =	simm.s32 @!p0 $0x1  }
0x17f: {  	_ =	swait.ge @!p0 [sflag:s0], s1  }
0x180: {  	s1 =	ssub.s32 @!p0 $0x0, s1;
	[sflag:s0] =	ssyncset.done @!p0 $0x0  }
0x181: {  	[sflag:s0] =	ssyncadd.s32 @!p0 s1  }
0x182: {  	[bflag:$0x3] =	sbarrier.arrive $0xFFFF  }
0x183: {  	_ =	shalt  }

</sc_bundles>
